<compile_context>
chip_gen: v7x
topology: tpu7x:2x2x1
jax: 0.10.2.dev20260603
libtpu: 0.0.44.dev20260713+nightly
codegen_flags: <defaults>
</compile_context>

<pallas_src>
import functools

import jax
import jax.numpy as jnp
from jax import lax
from jax.experimental import pallas as pl
from jax.experimental.pallas import tpu as pltpu
from jax.experimental.pallas import tpu_sc as plsc

_D = 512
_BB = 512
_TT = 8


def _argmax_body(a_ref, o_ref):
    bb, tt, k = a_ref.shape
    x = a_ref[...].reshape(bb * tt, k)
    m = jnp.max(x, axis=1, keepdims=True)
    ii = jax.lax.broadcasted_iota(jnp.int32, x.shape, 1)
    idx = jnp.min(jnp.where(x == m, ii, k), axis=1, keepdims=True)
    idx = jnp.minimum(idx, k - 1)
    o_ref[...] = idx.reshape(1, 1, bb * tt).astype(jnp.int32)


def _argmax_idx(action, nj):
    b, t, k = action.shape
    grid = (b // _BB, nj)
    r = _BB * _TT
    return pl.pallas_call(
        _argmax_body,
        grid=grid,
        in_specs=[pl.BlockSpec((_BB, _TT, k), lambda i, j: (i, j, 0))],
        out_specs=pl.BlockSpec((1, 1, r), lambda i, j: (i * nj + j, 0, 0)),
        out_shape=jax.ShapeDtypeStruct(((b // _BB) * nj, 1, r), jnp.int32),
        compiler_params=pltpu.CompilerParams(
            dimension_semantics=("parallel", "parallel")),
    )(action)


def _sc_gather(table, idx, b, t, nj):
    info = plsc.get_sparse_core_info()
    nw = info.num_cores * info.num_subcores
    b_per_w = b // nw
    w_per_i = _BB // b_per_w
    lane_w = _BB * _TT // w_per_i
    t48 = nj * _TT
    nj_tot = t // _TT + 1
    mesh = plsc.VectorSubcoreMesh(core_axis_name="c", subcore_axis_name="s")

    nbuf = 4

    @functools.partial(
        pl.kernel,
        out_type=jax.ShapeDtypeStruct((b, t, _D), jnp.float32),
        mesh=mesh,
        scratch_types=(
            [pltpu.VMEM((nj * lane_w,), jnp.int32)]
            + [pltpu.VMEM((t48, _D), jnp.float32) for _ in range(nbuf)]
            + [pltpu.SemaphoreType.DMA for _ in range(2 * nbuf)]
        ),
    )
    def k(table_hbm, idx_hbm, out_hbm, idx_v, *bufs_and_sems):
        rows = bufs_and_sems[:nbuf]
        gsem = bufs_and_sems[nbuf:2 * nbuf]
        wsem = bufs_and_sems[2 * nbuf:]
        wid = lax.axis_index("s") * info.num_cores + lax.axis_index("c")
        b0 = wid * b_per_w
        i = wid // w_per_i
        lane0 = (wid % w_per_i) * lane_w
        for j in range(nj):
            pltpu.sync_copy(idx_hbm.at[i * nj_tot + j, 0, pl.ds(lane0, lane_w)],
                            idx_v.at[pl.ds(j * lane_w, lane_w)])

        def fire_g(bi, c):
            for j in range(nj):
                pltpu.async_copy(
                    table_hbm.at[idx_v.at[pl.ds(j * lane_w + bi * _TT, _TT)]],
                    rows[c].at[pl.ds(j * _TT, _TT)], gsem[c])

        def drain_g(c):
            for j in range(nj):
                pltpu.make_async_copy(
                    table_hbm.at[idx_v.at[pl.ds(j * lane_w, _TT)]],
                    rows[c].at[pl.ds(j * _TT, _TT)], gsem[c]).wait()

        def fire_w(bi, c):
            pltpu.async_copy(rows[c], out_hbm.at[b0 + bi, pl.ds(0, t48)],
                             wsem[c])

        def drain_w(c):
            pltpu.make_async_copy(rows[c], out_hbm.at[b0, pl.ds(0, t48)],
                                  wsem[c]).wait()

        for c in range(nbuf - 1):
            fire_g(c, c)

        nh = b_per_w // nbuf

        def body(h, _):
            for c in range(nbuf):
                bi = nbuf * h + c
                drain_g(c)
                fire_w(bi, c)
                d = (c + nbuf - 1) % nbuf

                @pl.when(bi + nbuf - 1 < b_per_w)
                def _():
                    @pl.when(bi - 1 >= 0)
                    def _():
                        drain_w(d)
                    fire_g(bi + nbuf - 1, d)
            return ()

        lax.fori_loop(0, nh, body, ())
        for c in range(nbuf):
            drain_w(c)

    return k(table, idx)


def _tail_body(a_ref, w_ref, _, o_ref):
    bb, tt, k = a_ref.shape
    x = a_ref[...].reshape(bb * tt, k)
    m = jnp.max(x, axis=1, keepdims=True)
    ii = jax.lax.broadcasted_iota(jnp.int32, x.shape, 1)
    idx = jnp.min(jnp.where(x == m, ii, k), axis=1, keepdims=True)
    onehot = (ii == idx).astype(jnp.bfloat16)
    y = jax.lax.dot_general(
        onehot, w_ref[...], (((1,), (0,)), ((), ())),
        preferred_element_type=jnp.float32,
        precision=jax.lax.Precision.DEFAULT)
    o_ref[...] = y.reshape(bb, tt, _D)


def _tail(action, embed_weight, out_sc, jtail):
    b, t, k = action.shape
    return pl.pallas_call(
        _tail_body,
        grid=(b // _BB,),
        in_specs=[pl.BlockSpec((_BB, _TT, k), lambda i: (i, jtail, 0)),
                  pl.BlockSpec((k, _D), lambda i: (0, 0)),
                  pl.BlockSpec(memory_space=pl.ANY)],
        out_specs=pl.BlockSpec((_BB, _TT, _D), lambda i: (i, jtail, 0)),
        out_shape=jax.ShapeDtypeStruct((b, t, _D), jnp.float32),
        input_output_aliases={2: 0},
        compiler_params=pltpu.CompilerParams(
            dimension_semantics=("parallel",)),
    )(action, embed_weight, out_sc)


def kernel(action, embed_weight):
    b, t, k = action.shape
    nj_tot = pl.cdiv(t, _TT)
    nj_sc = t // _TT
    idx = _argmax_idx(action, nj_tot)
    out_sc = _sc_gather(embed_weight, idx, b, t, nj_sc)
    return _tail(action, embed_weight, out_sc, nj_sc)

# --- scband reference (transcript-rebuilt; emitter-appended) ---
"""Pipeline reference for scband-discrete-action-embed-42855183679806 (READ-ONLY COPY).

The authoritative reference and input builder live on the scoring server;
editing this copy changes nothing except your own understanding.
"""

import jax, jax.numpy as jnp
import numpy as np

def setup_inputs(seed: int = 0) -> dict:
    key = jax.random.key(seed)
    k1, k2 = jax.random.split(key)
    action = jax.random.normal(k1, (4096, 50, 209), dtype=jnp.float32)
    # nn.Embedding(11*19, dim) weight: N(0,1) init
    embed_weight = jax.random.normal(k2, (209, 512), dtype=jnp.float32)
    return {"action": action, "embed_weight": embed_weight}

def reference(action, embed_weight):
    idx = jnp.argmax(action, axis=-1)
    return jnp.take(embed_weight, idx, axis=0)

if __name__ == "__main__":
    import jax
    _d = setup_inputs()
    print(jax.jit(kernel)(*tuple(_d.values())))

</pallas_src>

<mosaic_0001>
#map = affine_map<(d0, d1) -> (0, 0)>
#map1 = affine_map<(d0, d1) -> (0, 0, 0)>
module attributes {stable_mosaic.version = 14 : i64} {
  func.func @k(%arg0: i32, %arg1: i32, %arg2: memref<209x512xf32, #tpu.memory_space<hbm>>, %arg3: memref<56x1x4096xi32, #tpu.memory_space<hbm>>, %arg4: memref<4096x50x512xf32, #tpu.memory_space<hbm>>, %arg5: memref<6144xi32, #tpu.memory_space<vmem>>, %arg6: memref<48x512xf32, #tpu.memory_space<vmem>>, %arg7: memref<48x512xf32, #tpu.memory_space<vmem>>, %arg8: memref<48x512xf32, #tpu.memory_space<vmem>>, %arg9: memref<48x512xf32, #tpu.memory_space<vmem>>, %arg10: memref<!tpu.dma_semaphore, #tpu.memory_space<semaphore_mem>>, %arg11: memref<!tpu.dma_semaphore, #tpu.memory_space<semaphore_mem>>, %arg12: memref<!tpu.dma_semaphore, #tpu.memory_space<semaphore_mem>>, %arg13: memref<!tpu.dma_semaphore, #tpu.memory_space<semaphore_mem>>, %arg14: memref<!tpu.dma_semaphore, #tpu.memory_space<semaphore_mem>>, %arg15: memref<!tpu.dma_semaphore, #tpu.memory_space<semaphore_mem>>, %arg16: memref<!tpu.dma_semaphore, #tpu.memory_space<semaphore_mem>>, %arg17: memref<!tpu.dma_semaphore, #tpu.memory_space<semaphore_mem>>) attributes {dimension_semantics = [#tpu.dimension_semantics<core_parallel>, #tpu.dimension_semantics<subcore_parallel>], iteration_bounds = array<i64: 2, 16>, scalar_prefetch = 0 : i64, scratch_operands = 13 : i64, tpu.core_type = #tpu.core_type<sc_vector_subcore>, window_params = [{transform_indices = #map}, {transform_indices = #map1}, {transform_indices = #map1}]} {
    %mul3A = arith.constant 2 : i32
    %mul3A_0 = arith.muli %arg1, %mul3A : i32
    %add3A = arith.addi %mul3A_0, %arg0 : i32
    %mul3A_1 = arith.constant 128 : i32
    %mul3A_2 = arith.muli %add3A, %mul3A_1 : i32
    %jit3A = arith.constant 4 : i32
    %div3A = arith.divsi %add3A, %jit3A : i32
    %sign3A = arith.constant 0 : i32
    %sign3A_3 = arith.cmpi sgt, %add3A, %sign3A : i32
    %sign3A_4 = arith.extui %sign3A_3 : i1 to i32
    %sign3A_5 = arith.constant 0 : i32
    %sign3A_6 = arith.cmpi slt, %add3A, %sign3A_5 : i32
    %sign3A_7 = arith.extui %sign3A_6 : i1 to i32
    %sign3A_8 = arith.subi %sign3A_4, %sign3A_7 : i32
    %sign3A_9 = arith.constant 0 : i32
    %sign3A_10 = arith.cmpi sgt, %jit3A, %sign3A_9 : i32
    %sign3A_11 = arith.extui %sign3A_10 : i1 to i32
    %sign3A_12 = arith.constant 0 : i32
    %sign3A_13 = arith.cmpi slt, %jit3A, %sign3A_12 : i32
    %sign3A_14 = arith.extui %sign3A_13 : i1 to i32
    %sign3A_15 = arith.subi %sign3A_11, %sign3A_14 : i32
    %ne3A = arith.cmpi ne, %sign3A_8, %sign3A_15 : i32
    %rem3A = arith.remsi %add3A, %jit3A : i32
    %ne3A_16 = arith.constant 0 : i32
    %ne3A_17 = arith.cmpi ne, %rem3A, %ne3A_16 : i32
    %and3A = arith.andi %ne3A, %ne3A_17 : i1
    %sub3A = arith.constant 1 : i32
    %sub3A_18 = arith.subi %div3A, %sub3A : i32
    %select_n3A = arith.select %and3A, %sub3A_18, %div3A : i32
    %jit3A_19 = arith.constant 4 : i32
    %eq3A = arith.constant 0 : i32
    %eq3A_20 = arith.cmpi eq, %jit3A_19, %eq3A : i32
    %jit3A_21 = arith.constant 1 : i32
    %select_n3A_22 = arith.select %eq3A_20, %jit3A_21, %jit3A_19 : i32
    %rem3A_23 = arith.remsi %add3A, %select_n3A_22 : i32
    %ne3A_24 = arith.constant 0 : i32
    %ne3A_25 = arith.cmpi ne, %rem3A_23, %ne3A_24 : i32
    %lt3A = arith.constant 0 : i32
    %lt3A_26 = arith.cmpi slt, %rem3A_23, %lt3A : i32
    %lt3A_27 = arith.constant 0 : i32
    %lt3A_28 = arith.cmpi slt, %select_n3A_22, %lt3A_27 : i32
    %ne3A_29 = arith.xori %lt3A_26, %lt3A_28 : i1
    %and3A_30 = arith.andi %ne3A_29, %ne3A_25 : i1
    %add3A_31 = arith.addi %rem3A_23, %select_n3A_22 : i32
    %select_n3A_32 = arith.select %and3A_30, %add3A_31, %rem3A_23 : i32
    %mul3A_33 = arith.constant 1024 : i32
    %mul3A_34 = arith.muli %select_n3A_32, %mul3A_33 : i32
    %mul3A_35 = arith.constant 7 : i32
    %mul3A_36 = arith.muli %select_n3A, %mul3A_35 : i32
    %add3A_37 = arith.constant 0 : i32
    %add3A_38 = arith.addi %mul3A_36, %add3A_37 : i32
    %run_scoped3A = arith.constant 0 : i32
    "tpu.region"() ({
      %run_scoped3A_242 = tpu.sem_alloc : memref<!tpu.dma_semaphore, #tpu.memory_space<semaphore_mem>>
      %dma_start3A_243 = arith.constant 0 : i32
      %dma_start3A_244 = tpu.memref_slice %arg5[%dma_start3A_243] : memref<6144xi32, #tpu.memory_space<vmem>> -> memref<1024xi32, #tpu.memory_space<vmem>>
      %dma_start3A_245 = tpu.memref_slice %arg3[%add3A_38, %run_scoped3A, %mul3A_34] : memref<56x1x4096xi32, #tpu.memory_space<hbm>> -> memref<1x1x1024xi32, #tpu.memory_space<hbm>>
      %dma_start3A_246 = tpu.memref_squeeze %dma_start3A_245 : memref<1x1x1024xi32, #tpu.memory_space<hbm>> -> memref<1024xi32, #tpu.memory_space<hbm>>
      %dma_start3A_247 = arith.constant 0 : i32
      %dma_start3A_248 = tpu.memref_slice %arg5[%dma_start3A_247] : memref<6144xi32, #tpu.memory_space<vmem>> -> memref<1024xi32, #tpu.memory_space<vmem>>
      %dma_start3A_249 = tpu.memref_slice %arg3[%add3A_38, %run_scoped3A, %mul3A_34] : memref<56x1x4096xi32, #tpu.memory_space<hbm>> -> memref<1x1x1024xi32, #tpu.memory_space<hbm>>
      %dma_start3A_250 = tpu.memref_squeeze %dma_start3A_249 : memref<1x1x1024xi32, #tpu.memory_space<hbm>> -> memref<1024xi32, #tpu.memory_space<hbm>>
      tpu.enqueue_dma source(%dma_start3A_250 : memref<1024xi32, #tpu.memory_space<hbm>>) target(%dma_start3A_248 : memref<1024xi32, #tpu.memory_space<vmem>>) target_semaphore(%run_scoped3A_242 : memref<!tpu.dma_semaphore, #tpu.memory_space<semaphore_mem>>)
      %dma_wait3A_251 = arith.constant 0 : i32
      %dma_wait3A_252 = tpu.memref_slice %arg5[%dma_wait3A_251] : memref<6144xi32, #tpu.memory_space<vmem>> -> memref<1024xi32, #tpu.memory_space<vmem>>
      %dma_wait3A_253 = tpu.memref_slice %arg3[%add3A_38, %run_scoped3A, %mul3A_34] : memref<56x1x4096xi32, #tpu.memory_space<hbm>> -> memref<1x1x1024xi32, #tpu.memory_space<hbm>>
      %dma_wait3A_254 = tpu.memref_squeeze %dma_wait3A_253 : memref<1x1x1024xi32, #tpu.memory_space<hbm>> -> memref<1024xi32, #tpu.memory_space<hbm>>
      %dma_wait3A_255 = arith.constant 0 : i32
      %dma_wait3A_256 = tpu.memref_slice %arg5[%dma_wait3A_255] : memref<6144xi32, #tpu.memory_space<vmem>> -> memref<1024xi32, #tpu.memory_space<vmem>>
      %dma_wait3A_257 = tpu.memref_slice %arg3[%add3A_38, %run_scoped3A, %mul3A_34] : memref<56x1x4096xi32, #tpu.memory_space<hbm>> -> memref<1x1x1024xi32, #tpu.memory_space<hbm>>
      %dma_wait3A_258 = tpu.memref_squeeze %dma_wait3A_257 : memref<1x1x1024xi32, #tpu.memory_space<hbm>> -> memref<1024xi32, #tpu.memory_space<hbm>>
      tpu.wait_dma2 semaphore(%run_scoped3A_242 : memref<!tpu.dma_semaphore, #tpu.memory_space<semaphore_mem>>) src(%dma_wait3A_258 : memref<1024xi32, #tpu.memory_space<hbm>>) dst(%dma_wait3A_256 : memref<1024xi32, #tpu.memory_space<vmem>>)
      tpu.yield
    }) : () -> ()
    %mul3A_39 = arith.constant 7 : i32
    %mul3A_40 = arith.muli %select_n3A, %mul3A_39 : i32
    %add3A_41 = arith.constant 1 : i32
    %add3A_42 = arith.addi %mul3A_40, %add3A_41 : i32
    %run_scoped3A_43 = arith.constant 0 : i32
    "tpu.region"() ({
      %run_scoped3A_242 = tpu.sem_alloc : memref<!tpu.dma_semaphore, #tpu.memory_space<semaphore_mem>>
      %dma_start3A_243 = arith.constant 1024 : i32
      %dma_start3A_244 = tpu.memref_slice %arg5[%dma_start3A_243] : memref<6144xi32, #tpu.memory_space<vmem>> -> memref<1024xi32, #tpu.memory_space<vmem>>
      %dma_start3A_245 = tpu.memref_slice %arg3[%add3A_42, %run_scoped3A_43, %mul3A_34] : memref<56x1x4096xi32, #tpu.memory_space<hbm>> -> memref<1x1x1024xi32, #tpu.memory_space<hbm>>
      %dma_start3A_246 = tpu.memref_squeeze %dma_start3A_245 : memref<1x1x1024xi32, #tpu.memory_space<hbm>> -> memref<1024xi32, #tpu.memory_space<hbm>>
      %dma_start3A_247 = arith.constant 1024 : i32
      %dma_start3A_248 = tpu.memref_slice %arg5[%dma_start3A_247] : memref<6144xi32, #tpu.memory_space<vmem>> -> memref<1024xi32, #tpu.memory_space<vmem>>
      %dma_start3A_249 = tpu.memref_slice %arg3[%add3A_42, %run_scoped3A_43, %mul3A_34] : memref<56x1x4096xi32, #tpu.memory_space<hbm>> -> memref<1x1x1024xi32, #tpu.memory_space<hbm>>
      %dma_start3A_250 = tpu.memref_squeeze %dma_start3A_249 : memref<1x1x1024xi32, #tpu.memory_space<hbm>> -> memref<1024xi32, #tpu.memory_space<hbm>>
      tpu.enqueue_dma source(%dma_start3A_250 : memref<1024xi32, #tpu.memory_space<hbm>>) target(%dma_start3A_248 : memref<1024xi32, #tpu.memory_space<vmem>>) target_semaphore(%run_scoped3A_242 : memref<!tpu.dma_semaphore, #tpu.memory_space<semaphore_mem>>)
      %dma_wait3A_251 = arith.constant 1024 : i32
      %dma_wait3A_252 = tpu.memref_slice %arg5[%dma_wait3A_251] : memref<6144xi32, #tpu.memory_space<vmem>> -> memref<1024xi32, #tpu.memory_space<vmem>>
      %dma_wait3A_253 = tpu.memref_slice %arg3[%add3A_42, %run_scoped3A_43, %mul3A_34] : memref<56x1x4096xi32, #tpu.memory_space<hbm>> -> memref<1x1x1024xi32, #tpu.memory_space<hbm>>
      %dma_wait3A_254 = tpu.memref_squeeze %dma_wait3A_253 : memref<1x1x1024xi32, #tpu.memory_space<hbm>> -> memref<1024xi32, #tpu.memory_space<hbm>>
      %dma_wait3A_255 = arith.constant 1024 : i32
      %dma_wait3A_256 = tpu.memref_slice %arg5[%dma_wait3A_255] : memref<6144xi32, #tpu.memory_space<vmem>> -> memref<1024xi32, #tpu.memory_space<vmem>>
      %dma_wait3A_257 = tpu.memref_slice %arg3[%add3A_42, %run_scoped3A_43, %mul3A_34] : memref<56x1x4096xi32, #tpu.memory_space<hbm>> -> memref<1x1x1024xi32, #tpu.memory_space<hbm>>
      %dma_wait3A_258 = tpu.memref_squeeze %dma_wait3A_257 : memref<1x1x1024xi32, #tpu.memory_space<hbm>> -> memref<1024xi32, #tpu.memory_space<hbm>>
      tpu.wait_dma2 semaphore(%run_scoped3A_242 : memref<!tpu.dma_semaphore, #tpu.memory_space<semaphore_mem>>) src(%dma_wait3A_258 : memref<1024xi32, #tpu.memory_space<hbm>>) dst(%dma_wait3A_256 : memref<1024xi32, #tpu.memory_space<vmem>>)
      tpu.yield
    }) : () -> ()
    %mul3A_44 = arith.constant 7 : i32
    %mul3A_45 = arith.muli %select_n3A, %mul3A_44 : i32
    %add3A_46 = arith.constant 2 : i32
    %add3A_47 = arith.addi %mul3A_45, %add3A_46 : i32
    %run_scoped3A_48 = arith.constant 0 : i32
    "tpu.region"() ({
      %run_scoped3A_242 = tpu.sem_alloc : memref<!tpu.dma_semaphore, #tpu.memory_space<semaphore_mem>>
      %dma_start3A_243 = arith.constant 2048 : i32
      %dma_start3A_244 = tpu.memref_slice %arg5[%dma_start3A_243] : memref<6144xi32, #tpu.memory_space<vmem>> -> memref<1024xi32, #tpu.memory_space<vmem>>
      %dma_start3A_245 = tpu.memref_slice %arg3[%add3A_47, %run_scoped3A_48, %mul3A_34] : memref<56x1x4096xi32, #tpu.memory_space<hbm>> -> memref<1x1x1024xi32, #tpu.memory_space<hbm>>
      %dma_start3A_246 = tpu.memref_squeeze %dma_start3A_245 : memref<1x1x1024xi32, #tpu.memory_space<hbm>> -> memref<1024xi32, #tpu.memory_space<hbm>>
      %dma_start3A_247 = arith.constant 2048 : i32
      %dma_start3A_248 = tpu.memref_slice %arg5[%dma_start3A_247] : memref<6144xi32, #tpu.memory_space<vmem>> -> memref<1024xi32, #tpu.memory_space<vmem>>
      %dma_start3A_249 = tpu.memref_slice %arg3[%add3A_47, %run_scoped3A_48, %mul3A_34] : memref<56x1x4096xi32, #tpu.memory_space<hbm>> -> memref<1x1x1024xi32, #tpu.memory_space<hbm>>
      %dma_start3A_250 = tpu.memref_squeeze %dma_start3A_249 : memref<1x1x1024xi32, #tpu.memory_space<hbm>> -> memref<1024xi32, #tpu.memory_space<hbm>>
      tpu.enqueue_dma source(%dma_start3A_250 : memref<1024xi32, #tpu.memory_space<hbm>>) target(%dma_start3A_248 : memref<1024xi32, #tpu.memory_space<vmem>>) target_semaphore(%run_scoped3A_242 : memref<!tpu.dma_semaphore, #tpu.memory_space<semaphore_mem>>)
      %dma_wait3A_251 = arith.constant 2048 : i32
      %dma_wait3A_252 = tpu.memref_slice %arg5[%dma_wait3A_251] : memref<6144xi32, #tpu.memory_space<vmem>> -> memref<1024xi32, #tpu.memory_space<vmem>>
      %dma_wait3A_253 = tpu.memref_slice %arg3[%add3A_47, %run_scoped3A_48, %mul3A_34] : memref<56x1x4096xi32, #tpu.memory_space<hbm>> -> memref<1x1x1024xi32, #tpu.memory_space<hbm>>
      %dma_wait3A_254 = tpu.memref_squeeze %dma_wait3A_253 : memref<1x1x1024xi32, #tpu.memory_space<hbm>> -> memref<1024xi32, #tpu.memory_space<hbm>>
      %dma_wait3A_255 = arith.constant 2048 : i32
      %dma_wait3A_256 = tpu.memref_slice %arg5[%dma_wait3A_255] : memref<6144xi32, #tpu.memory_space<vmem>> -> memref<1024xi32, #tpu.memory_space<vmem>>
      %dma_wait3A_257 = tpu.memref_slice %arg3[%add3A_47, %run_scoped3A_48, %mul3A_34] : memref<56x1x4096xi32, #tpu.memory_space<hbm>> -> memref<1x1x1024xi32, #tpu.memory_space<hbm>>
      %dma_wait3A_258 = tpu.memref_squeeze %dma_wait3A_257 : memref<1x1x1024xi32, #tpu.memory_space<hbm>> -> memref<1024xi32, #tpu.memory_space<hbm>>
      tpu.wait_dma2 semaphore(%run_scoped3A_242 : memref<!tpu.dma_semaphore, #tpu.memory_space<semaphore_mem>>) src(%dma_wait3A_258 : memref<1024xi32, #tpu.memory_space<hbm>>) dst(%dma_wait3A_256 : memref<1024xi32, #tpu.memory_space<vmem>>)
      tpu.yield
    }) : () -> ()
    %mul3A_49 = arith.constant 7 : i32
    %mul3A_50 = arith.muli %select_n3A, %mul3A_49 : i32
    %add3A_51 = arith.constant 3 : i32
    %add3A_52 = arith.addi %mul3A_50, %add3A_51 : i32
    %run_scoped3A_53 = arith.constant 0 : i32
    "tpu.region"() ({
      %run_scoped3A_242 = tpu.sem_alloc : memref<!tpu.dma_semaphore, #tpu.memory_space<semaphore_mem>>
      %dma_start3A_243 = arith.constant 3072 : i32
      %dma_start3A_244 = tpu.memref_slice %arg5[%dma_start3A_243] : memref<6144xi32, #tpu.memory_space<vmem>> -> memref<1024xi32, #tpu.memory_space<vmem>>
      %dma_start3A_245 = tpu.memref_slice %arg3[%add3A_52, %run_scoped3A_53, %mul3A_34] : memref<56x1x4096xi32, #tpu.memory_space<hbm>> -> memref<1x1x1024xi32, #tpu.memory_space<hbm>>
      %dma_start3A_246 = tpu.memref_squeeze %dma_start3A_245 : memref<1x1x1024xi32, #tpu.memory_space<hbm>> -> memref<1024xi32, #tpu.memory_space<hbm>>
      %dma_start3A_247 = arith.constant 3072 : i32
      %dma_start3A_248 = tpu.memref_slice %arg5[%dma_start3A_247] : memref<6144xi32, #tpu.memory_space<vmem>> -> memref<1024xi32, #tpu.memory_space<vmem>>
      %dma_start3A_249 = tpu.memref_slice %arg3[%add3A_52, %run_scoped3A_53, %mul3A_34] : memref<56x1x4096xi32, #tpu.memory_space<hbm>> -> memref<1x1x1024xi32, #tpu.memory_space<hbm>>
      %dma_start3A_250 = tpu.memref_squeeze %dma_start3A_249 : memref<1x1x1024xi32, #tpu.memory_space<hbm>> -> memref<1024xi32, #tpu.memory_space<hbm>>
      tpu.enqueue_dma source(%dma_start3A_250 : memref<1024xi32, #tpu.memory_space<hbm>>) target(%dma_start3A_248 : memref<1024xi32, #tpu.memory_space<vmem>>) target_semaphore(%run_scoped3A_242 : memref<!tpu.dma_semaphore, #tpu.memory_space<semaphore_mem>>)
      %dma_wait3A_251 = arith.constant 3072 : i32
      %dma_wait3A_252 = tpu.memref_slice %arg5[%dma_wait3A_251] : memref<6144xi32, #tpu.memory_space<vmem>> -> memref<1024xi32, #tpu.memory_space<vmem>>
      %dma_wait3A_253 = tpu.memref_slice %arg3[%add3A_52, %run_scoped3A_53, %mul3A_34] : memref<56x1x4096xi32, #tpu.memory_space<hbm>> -> memref<1x1x1024xi32, #tpu.memory_space<hbm>>
      %dma_wait3A_254 = tpu.memref_squeeze %dma_wait3A_253 : memref<1x1x1024xi32, #tpu.memory_space<hbm>> -> memref<1024xi32, #tpu.memory_space<hbm>>
      %dma_wait3A_255 = arith.constant 3072 : i32
      %dma_wait3A_256 = tpu.memref_slice %arg5[%dma_wait3A_255] : memref<6144xi32, #tpu.memory_space<vmem>> -> memref<1024xi32, #tpu.memory_space<vmem>>
      %dma_wait3A_257 = tpu.memref_slice %arg3[%add3A_52, %run_scoped3A_53, %mul3A_34] : memref<56x1x4096xi32, #tpu.memory_space<hbm>> -> memref<1x1x1024xi32, #tpu.memory_space<hbm>>
      %dma_wait3A_258 = tpu.memref_squeeze %dma_wait3A_257 : memref<1x1x1024xi32, #tpu.memory_space<hbm>> -> memref<1024xi32, #tpu.memory_space<hbm>>
      tpu.wait_dma2 semaphore(%run_scoped3A_242 : memref<!tpu.dma_semaphore, #tpu.memory_space<semaphore_mem>>) src(%dma_wait3A_258 : memref<1024xi32, #tpu.memory_space<hbm>>) dst(%dma_wait3A_256 : memref<1024xi32, #tpu.memory_space<vmem>>)
      tpu.yield
    }) : () -> ()
    %mul3A_54 = arith.constant 7 : i32
    %mul3A_55 = arith.muli %select_n3A, %mul3A_54 : i32
    %add3A_56 = arith.constant 4 : i32
    %add3A_57 = arith.addi %mul3A_55, %add3A_56 : i32
    %run_scoped3A_58 = arith.constant 0 : i32
    "tpu.region"() ({
      %run_scoped3A_242 = tpu.sem_alloc : memref<!tpu.dma_semaphore, #tpu.memory_space<semaphore_mem>>
      %dma_start3A_243 = arith.constant 4096 : i32
      %dma_start3A_244 = tpu.memref_slice %arg5[%dma_start3A_243] : memref<6144xi32, #tpu.memory_space<vmem>> -> memref<1024xi32, #tpu.memory_space<vmem>>
      %dma_start3A_245 = tpu.memref_slice %arg3[%add3A_57, %run_scoped3A_58, %mul3A_34] : memref<56x1x4096xi32, #tpu.memory_space<hbm>> -> memref<1x1x1024xi32, #tpu.memory_space<hbm>>
      %dma_start3A_246 = tpu.memref_squeeze %dma_start3A_245 : memref<1x1x1024xi32, #tpu.memory_space<hbm>> -> memref<1024xi32, #tpu.memory_space<hbm>>
      %dma_start3A_247 = arith.constant 4096 : i32
      %dma_start3A_248 = tpu.memref_slice %arg5[%dma_start3A_247] : memref<6144xi32, #tpu.memory_space<vmem>> -> memref<1024xi32, #tpu.memory_space<vmem>>
      %dma_start3A_249 = tpu.memref_slice %arg3[%add3A_57, %run_scoped3A_58, %mul3A_34] : memref<56x1x4096xi32, #tpu.memory_space<hbm>> -> memref<1x1x1024xi32, #tpu.memory_space<hbm>>
      %dma_start3A_250 = tpu.memref_squeeze %dma_start3A_249 : memref<1x1x1024xi32, #tpu.memory_space<hbm>> -> memref<1024xi32, #tpu.memory_space<hbm>>
      tpu.enqueue_dma source(%dma_start3A_250 : memref<1024xi32, #tpu.memory_space<hbm>>) target(%dma_start3A_248 : memref<1024xi32, #tpu.memory_space<vmem>>) target_semaphore(%run_scoped3A_242 : memref<!tpu.dma_semaphore, #tpu.memory_space<semaphore_mem>>)
      %dma_wait3A_251 = arith.constant 4096 : i32
      %dma_wait3A_252 = tpu.memref_slice %arg5[%dma_wait3A_251] : memref<6144xi32, #tpu.memory_space<vmem>> -> memref<1024xi32, #tpu.memory_space<vmem>>
      %dma_wait3A_253 = tpu.memref_slice %arg3[%add3A_57, %run_scoped3A_58, %mul3A_34] : memref<56x1x4096xi32, #tpu.memory_space<hbm>> -> memref<1x1x1024xi32, #tpu.memory_space<hbm>>
      %dma_wait3A_254 = tpu.memref_squeeze %dma_wait3A_253 : memref<1x1x1024xi32, #tpu.memory_space<hbm>> -> memref<1024xi32, #tpu.memory_space<hbm>>
      %dma_wait3A_255 = arith.constant 4096 : i32
      %dma_wait3A_256 = tpu.memref_slice %arg5[%dma_wait3A_255] : memref<6144xi32, #tpu.memory_space<vmem>> -> memref<1024xi32, #tpu.memory_space<vmem>>
      %dma_wait3A_257 = tpu.memref_slice %arg3[%add3A_57, %run_scoped3A_58, %mul3A_34] : memref<56x1x4096xi32, #tpu.memory_space<hbm>> -> memref<1x1x1024xi32, #tpu.memory_space<hbm>>
      %dma_wait3A_258 = tpu.memref_squeeze %dma_wait3A_257 : memref<1x1x1024xi32, #tpu.memory_space<hbm>> -> memref<1024xi32, #tpu.memory_space<hbm>>
      tpu.wait_dma2 semaphore(%run_scoped3A_242 : memref<!tpu.dma_semaphore, #tpu.memory_space<semaphore_mem>>) src(%dma_wait3A_258 : memref<1024xi32, #tpu.memory_space<hbm>>) dst(%dma_wait3A_256 : memref<1024xi32, #tpu.memory_space<vmem>>)
      tpu.yield
    }) : () -> ()
    %mul3A_59 = arith.constant 7 : i32
    %mul3A_60 = arith.muli %select_n3A, %mul3A_59 : i32
    %add3A_61 = arith.constant 5 : i32
    %add3A_62 = arith.addi %mul3A_60, %add3A_61 : i32
    %run_scoped3A_63 = arith.constant 0 : i32
    "tpu.region"() ({
      %run_scoped3A_242 = tpu.sem_alloc : memref<!tpu.dma_semaphore, #tpu.memory_space<semaphore_mem>>
      %dma_start3A_243 = arith.constant 5120 : i32
      %dma_start3A_244 = tpu.memref_slice %arg5[%dma_start3A_243] : memref<6144xi32, #tpu.memory_space<vmem>> -> memref<1024xi32, #tpu.memory_space<vmem>>
      %dma_start3A_245 = tpu.memref_slice %arg3[%add3A_62, %run_scoped3A_63, %mul3A_34] : memref<56x1x4096xi32, #tpu.memory_space<hbm>> -> memref<1x1x1024xi32, #tpu.memory_space<hbm>>
      %dma_start3A_246 = tpu.memref_squeeze %dma_start3A_245 : memref<1x1x1024xi32, #tpu.memory_space<hbm>> -> memref<1024xi32, #tpu.memory_space<hbm>>
      %dma_start3A_247 = arith.constant 5120 : i32
      %dma_start3A_248 = tpu.memref_slice %arg5[%dma_start3A_247] : memref<6144xi32, #tpu.memory_space<vmem>> -> memref<1024xi32, #tpu.memory_space<vmem>>
      %dma_start3A_249 = tpu.memref_slice %arg3[%add3A_62, %run_scoped3A_63, %mul3A_34] : memref<56x1x4096xi32, #tpu.memory_space<hbm>> -> memref<1x1x1024xi32, #tpu.memory_space<hbm>>
      %dma_start3A_250 = tpu.memref_squeeze %dma_start3A_249 : memref<1x1x1024xi32, #tpu.memory_space<hbm>> -> memref<1024xi32, #tpu.memory_space<hbm>>
      tpu.enqueue_dma source(%dma_start3A_250 : memref<1024xi32, #tpu.memory_space<hbm>>) target(%dma_start3A_248 : memref<1024xi32, #tpu.memory_space<vmem>>) target_semaphore(%run_scoped3A_242 : memref<!tpu.dma_semaphore, #tpu.memory_space<semaphore_mem>>)
      %dma_wait3A_251 = arith.constant 5120 : i32
      %dma_wait3A_252 = tpu.memref_slice %arg5[%dma_wait3A_251] : memref<6144xi32, #tpu.memory_space<vmem>> -> memref<1024xi32, #tpu.memory_space<vmem>>
      %dma_wait3A_253 = tpu.memref_slice %arg3[%add3A_62, %run_scoped3A_63, %mul3A_34] : memref<56x1x4096xi32, #tpu.memory_space<hbm>> -> memref<1x1x1024xi32, #tpu.memory_space<hbm>>
      %dma_wait3A_254 = tpu.memref_squeeze %dma_wait3A_253 : memref<1x1x1024xi32, #tpu.memory_space<hbm>> -> memref<1024xi32, #tpu.memory_space<hbm>>
      %dma_wait3A_255 = arith.constant 5120 : i32
      %dma_wait3A_256 = tpu.memref_slice %arg5[%dma_wait3A_255] : memref<6144xi32, #tpu.memory_space<vmem>> -> memref<1024xi32, #tpu.memory_space<vmem>>
      %dma_wait3A_257 = tpu.memref_slice %arg3[%add3A_62, %run_scoped3A_63, %mul3A_34] : memref<56x1x4096xi32, #tpu.memory_space<hbm>> -> memref<1x1x1024xi32, #tpu.memory_space<hbm>>
      %dma_wait3A_258 = tpu.memref_squeeze %dma_wait3A_257 : memref<1x1x1024xi32, #tpu.memory_space<hbm>> -> memref<1024xi32, #tpu.memory_space<hbm>>
      tpu.wait_dma2 semaphore(%run_scoped3A_242 : memref<!tpu.dma_semaphore, #tpu.memory_space<semaphore_mem>>) src(%dma_wait3A_258 : memref<1024xi32, #tpu.memory_space<hbm>>) dst(%dma_wait3A_256 : memref<1024xi32, #tpu.memory_space<vmem>>)
      tpu.yield
    }) : () -> ()
    %dma_start3A = arith.constant 0 : i32
    %dma_start3A_64 = arith.constant 0 : i32
    %dma_start3A_65 = tpu.memref_slice %arg6[%dma_start3A, %dma_start3A_64] : memref<48x512xf32, #tpu.memory_space<vmem>> -> memref<8x512xf32, #tpu.memory_space<vmem>>
    %dma_start3A_66 = arith.constant 0 : i32
    %dma_start3A_67 = tpu.memref_slice %arg5[%dma_start3A_66] : memref<6144xi32, #tpu.memory_space<vmem>> -> memref<8xi32, #tpu.memory_space<vmem>>
    %dma_start3A_68 = arith.constant 0 : i32
    %dma_start3A_69 = arith.constant 0 : i32
    %dma_start3A_70 = tpu.memref_slice %arg2[%dma_start3A_68, %dma_start3A_69] : memref<209x512xf32, #tpu.memory_space<hbm>> -> memref<209x512xf32, #tpu.memory_space<hbm>>
    tpu.enqueue_indirect_dma source(%dma_start3A_70 : memref<209x512xf32, #tpu.memory_space<hbm>>) target(%dma_start3A_65 : memref<8x512xf32, #tpu.memory_space<vmem>>) offsets(%dma_start3A_67 : memref<8xi32, #tpu.memory_space<vmem>>) semaphore(%arg10 : memref<!tpu.dma_semaphore, #tpu.memory_space<semaphore_mem>>)
    %dma_start3A_71 = arith.constant 8 : i32
    %dma_start3A_72 = arith.constant 0 : i32
    %dma_start3A_73 = tpu.memref_slice %arg6[%dma_start3A_71, %dma_start3A_72] : memref<48x512xf32, #tpu.memory_space<vmem>> -> memref<8x512xf32, #tpu.memory_space<vmem>>
    %dma_start3A_74 = arith.constant 1024 : i32
    %dma_start3A_75 = tpu.memref_slice %arg5[%dma_start3A_74] : memref<6144xi32, #tpu.memory_space<vmem>> -> memref<8xi32, #tpu.memory_space<vmem>>
    %dma_start3A_76 = arith.constant 0 : i32
    %dma_start3A_77 = arith.constant 0 : i32
    %dma_start3A_78 = tpu.memref_slice %arg2[%dma_start3A_76, %dma_start3A_77] : memref<209x512xf32, #tpu.memory_space<hbm>> -> memref<209x512xf32, #tpu.memory_space<hbm>>
    tpu.enqueue_indirect_dma source(%dma_start3A_78 : memref<209x512xf32, #tpu.memory_space<hbm>>) target(%dma_start3A_73 : memref<8x512xf32, #tpu.memory_space<vmem>>) offsets(%dma_start3A_75 : memref<8xi32, #tpu.memory_space<vmem>>) semaphore(%arg10 : memref<!tpu.dma_semaphore, #tpu.memory_space<semaphore_mem>>)
    %dma_start3A_79 = arith.constant 16 : i32
    %dma_start3A_80 = arith.constant 0 : i32
    %dma_start3A_81 = tpu.memref_slice %arg6[%dma_start3A_79, %dma_start3A_80] : memref<48x512xf32, #tpu.memory_space<vmem>> -> memref<8x512xf32, #tpu.memory_space<vmem>>
    %dma_start3A_82 = arith.constant 2048 : i32
    %dma_start3A_83 = tpu.memref_slice %arg5[%dma_start3A_82] : memref<6144xi32, #tpu.memory_space<vmem>> -> memref<8xi32, #tpu.memory_space<vmem>>
    %dma_start3A_84 = arith.constant 0 : i32
    %dma_start3A_85 = arith.constant 0 : i32
    %dma_start3A_86 = tpu.memref_slice %arg2[%dma_start3A_84, %dma_start3A_85] : memref<209x512xf32, #tpu.memory_space<hbm>> -> memref<209x512xf32, #tpu.memory_space<hbm>>
    tpu.enqueue_indirect_dma source(%dma_start3A_86 : memref<209x512xf32, #tpu.memory_space<hbm>>) target(%dma_start3A_81 : memref<8x512xf32, #tpu.memory_space<vmem>>) offsets(%dma_start3A_83 : memref<8xi32, #tpu.memory_space<vmem>>) semaphore(%arg10 : memref<!tpu.dma_semaphore, #tpu.memory_space<semaphore_mem>>)
    %dma_start3A_87 = arith.constant 24 : i32
    %dma_start3A_88 = arith.constant 0 : i32
    %dma_start3A_89 = tpu.memref_slice %arg6[%dma_start3A_87, %dma_start3A_88] : memref<48x512xf32, #tpu.memory_space<vmem>> -> memref<8x512xf32, #tpu.memory_space<vmem>>
    %dma_start3A_90 = arith.constant 3072 : i32
    %dma_start3A_91 = tpu.memref_slice %arg5[%dma_start3A_90] : memref<6144xi32, #tpu.memory_space<vmem>> -> memref<8xi32, #tpu.memory_space<vmem>>
    %dma_start3A_92 = arith.constant 0 : i32
    %dma_start3A_93 = arith.constant 0 : i32
    %dma_start3A_94 = tpu.memref_slice %arg2[%dma_start3A_92, %dma_start3A_93] : memref<209x512xf32, #tpu.memory_space<hbm>> -> memref<209x512xf32, #tpu.memory_space<hbm>>
    tpu.enqueue_indirect_dma source(%dma_start3A_94 : memref<209x512xf32, #tpu.memory_space<hbm>>) target(%dma_start3A_89 : memref<8x512xf32, #tpu.memory_space<vmem>>) offsets(%dma_start3A_91 : memref<8xi32, #tpu.memory_space<vmem>>) semaphore(%arg10 : memref<!tpu.dma_semaphore, #tpu.memory_space<semaphore_mem>>)
    %dma_start3A_95 = arith.constant 32 : i32
    %dma_start3A_96 = arith.constant 0 : i32
    %dma_start3A_97 = tpu.memref_slice %arg6[%dma_start3A_95, %dma_start3A_96] : memref<48x512xf32, #tpu.memory_space<vmem>> -> memref<8x512xf32, #tpu.memory_space<vmem>>
    %dma_start3A_98 = arith.constant 4096 : i32
    %dma_start3A_99 = tpu.memref_slice %arg5[%dma_start3A_98] : memref<6144xi32, #tpu.memory_space<vmem>> -> memref<8xi32, #tpu.memory_space<vmem>>
    %dma_start3A_100 = arith.constant 0 : i32
    %dma_start3A_101 = arith.constant 0 : i32
    %dma_start3A_102 = tpu.memref_slice %arg2[%dma_start3A_100, %dma_start3A_101] : memref<209x512xf32, #tpu.memory_space<hbm>> -> memref<209x512xf32, #tpu.memory_space<hbm>>
    tpu.enqueue_indirect_dma source(%dma_start3A_102 : memref<209x512xf32, #tpu.memory_space<hbm>>) target(%dma_start3A_97 : memref<8x512xf32, #tpu.memory_space<vmem>>) offsets(%dma_start3A_99 : memref<8xi32, #tpu.memory_space<vmem>>) semaphore(%arg10 : memref<!tpu.dma_semaphore, #tpu.memory_space<semaphore_mem>>)
    %dma_start3A_103 = arith.constant 40 : i32
    %dma_start3A_104 = arith.constant 0 : i32
    %dma_start3A_105 = tpu.memref_slice %arg6[%dma_start3A_103, %dma_start3A_104] : memref<48x512xf32, #tpu.memory_space<vmem>> -> memref<8x512xf32, #tpu.memory_space<vmem>>
    %dma_start3A_106 = arith.constant 5120 : i32
    %dma_start3A_107 = tpu.memref_slice %arg5[%dma_start3A_106] : memref<6144xi32, #tpu.memory_space<vmem>> -> memref<8xi32, #tpu.memory_space<vmem>>
    %dma_start3A_108 = arith.constant 0 : i32
    %dma_start3A_109 = arith.constant 0 : i32
    %dma_start3A_110 = tpu.memref_slice %arg2[%dma_start3A_108, %dma_start3A_109] : memref<209x512xf32, #tpu.memory_space<hbm>> -> memref<209x512xf32, #tpu.memory_space<hbm>>
    tpu.enqueue_indirect_dma source(%dma_start3A_110 : memref<209x512xf32, #tpu.memory_space<hbm>>) target(%dma_start3A_105 : memref<8x512xf32, #tpu.memory_space<vmem>>) offsets(%dma_start3A_107 : memref<8xi32, #tpu.memory_space<vmem>>) semaphore(%arg10 : memref<!tpu.dma_semaphore, #tpu.memory_space<semaphore_mem>>)
    %dma_start3A_111 = arith.constant 0 : i32
    %dma_start3A_112 = arith.constant 0 : i32
    %dma_start3A_113 = tpu.memref_slice %arg7[%dma_start3A_111, %dma_start3A_112] : memref<48x512xf32, #tpu.memory_space<vmem>> -> memref<8x512xf32, #tpu.memory_space<vmem>>
    %dma_start3A_114 = arith.constant 8 : i32
    %dma_start3A_115 = tpu.memref_slice %arg5[%dma_start3A_114] : memref<6144xi32, #tpu.memory_space<vmem>> -> memref<8xi32, #tpu.memory_space<vmem>>
    %dma_start3A_116 = arith.constant 0 : i32
    %dma_start3A_117 = arith.constant 0 : i32
    %dma_start3A_118 = tpu.memref_slice %arg2[%dma_start3A_116, %dma_start3A_117] : memref<209x512xf32, #tpu.memory_space<hbm>> -> memref<209x512xf32, #tpu.memory_space<hbm>>
    tpu.enqueue_indirect_dma source(%dma_start3A_118 : memref<209x512xf32, #tpu.memory_space<hbm>>) target(%dma_start3A_113 : memref<8x512xf32, #tpu.memory_space<vmem>>) offsets(%dma_start3A_115 : memref<8xi32, #tpu.memory_space<vmem>>) semaphore(%arg11 : memref<!tpu.dma_semaphore, #tpu.memory_space<semaphore_mem>>)
    %dma_start3A_119 = arith.constant 8 : i32
    %dma_start3A_120 = arith.constant 0 : i32
    %dma_start3A_121 = tpu.memref_slice %arg7[%dma_start3A_119, %dma_start3A_120] : memref<48x512xf32, #tpu.memory_space<vmem>> -> memref<8x512xf32, #tpu.memory_space<vmem>>
    %dma_start3A_122 = arith.constant 1032 : i32
    %dma_start3A_123 = tpu.memref_slice %arg5[%dma_start3A_122] : memref<6144xi32, #tpu.memory_space<vmem>> -> memref<8xi32, #tpu.memory_space<vmem>>
    %dma_start3A_124 = arith.constant 0 : i32
    %dma_start3A_125 = arith.constant 0 : i32
    %dma_start3A_126 = tpu.memref_slice %arg2[%dma_start3A_124, %dma_start3A_125] : memref<209x512xf32, #tpu.memory_space<hbm>> -> memref<209x512xf32, #tpu.memory_space<hbm>>
    tpu.enqueue_indirect_dma source(%dma_start3A_126 : memref<209x512xf32, #tpu.memory_space<hbm>>) target(%dma_start3A_121 : memref<8x512xf32, #tpu.memory_space<vmem>>) offsets(%dma_start3A_123 : memref<8xi32, #tpu.memory_space<vmem>>) semaphore(%arg11 : memref<!tpu.dma_semaphore, #tpu.memory_space<semaphore_mem>>)
    %dma_start3A_127 = arith.constant 16 : i32
    %dma_start3A_128 = arith.constant 0 : i32
    %dma_start3A_129 = tpu.memref_slice %arg7[%dma_start3A_127, %dma_start3A_128] : memref<48x512xf32, #tpu.memory_space<vmem>> -> memref<8x512xf32, #tpu.memory_space<vmem>>
    %dma_start3A_130 = arith.constant 2056 : i32
    %dma_start3A_131 = tpu.memref_slice %arg5[%dma_start3A_130] : memref<6144xi32, #tpu.memory_space<vmem>> -> memref<8xi32, #tpu.memory_space<vmem>>
    %dma_start3A_132 = arith.constant 0 : i32
    %dma_start3A_133 = arith.constant 0 : i32
    %dma_start3A_134 = tpu.memref_slice %arg2[%dma_start3A_132, %dma_start3A_133] : memref<209x512xf32, #tpu.memory_space<hbm>> -> memref<209x512xf32, #tpu.memory_space<hbm>>
    tpu.enqueue_indirect_dma source(%dma_start3A_134 : memref<209x512xf32, #tpu.memory_space<hbm>>) target(%dma_start3A_129 : memref<8x512xf32, #tpu.memory_space<vmem>>) offsets(%dma_start3A_131 : memref<8xi32, #tpu.memory_space<vmem>>) semaphore(%arg11 : memref<!tpu.dma_semaphore, #tpu.memory_space<semaphore_mem>>)
    %dma_start3A_135 = arith.constant 24 : i32
    %dma_start3A_136 = arith.constant 0 : i32
    %dma_start3A_137 = tpu.memref_slice %arg7[%dma_start3A_135, %dma_start3A_136] : memref<48x512xf32, #tpu.memory_space<vmem>> -> memref<8x512xf32, #tpu.memory_space<vmem>>
    %dma_start3A_138 = arith.constant 3080 : i32
    %dma_start3A_139 = tpu.memref_slice %arg5[%dma_start3A_138] : memref<6144xi32, #tpu.memory_space<vmem>> -> memref<8xi32, #tpu.memory_space<vmem>>
    %dma_start3A_140 = arith.constant 0 : i32
    %dma_start3A_141 = arith.constant 0 : i32
    %dma_start3A_142 = tpu.memref_slice %arg2[%dma_start3A_140, %dma_start3A_141] : memref<209x512xf32, #tpu.memory_space<hbm>> -> memref<209x512xf32, #tpu.memory_space<hbm>>
    tpu.enqueue_indirect_dma source(%dma_start3A_142 : memref<209x512xf32, #tpu.memory_space<hbm>>) target(%dma_start3A_137 : memref<8x512xf32, #tpu.memory_space<vmem>>) offsets(%dma_start3A_139 : memref<8xi32, #tpu.memory_space<vmem>>) semaphore(%arg11 : memref<!tpu.dma_semaphore, #tpu.memory_space<semaphore_mem>>)
    %dma_start3A_143 = arith.constant 32 : i32
    %dma_start3A_144 = arith.constant 0 : i32
    %dma_start3A_145 = tpu.memref_slice %arg7[%dma_start3A_143, %dma_start3A_144] : memref<48x512xf32, #tpu.memory_space<vmem>> -> memref<8x512xf32, #tpu.memory_space<vmem>>
    %dma_start3A_146 = arith.constant 4104 : i32
    %dma_start3A_147 = tpu.memref_slice %arg5[%dma_start3A_146] : memref<6144xi32, #tpu.memory_space<vmem>> -> memref<8xi32, #tpu.memory_space<vmem>>
    %dma_start3A_148 = arith.constant 0 : i32
    %dma_start3A_149 = arith.constant 0 : i32
    %dma_start3A_150 = tpu.memref_slice %arg2[%dma_start3A_148, %dma_start3A_149] : memref<209x512xf32, #tpu.memory_space<hbm>> -> memref<209x512xf32, #tpu.memory_space<hbm>>
    tpu.enqueue_indirect_dma source(%dma_start3A_150 : memref<209x512xf32, #tpu.memory_space<hbm>>) target(%dma_start3A_145 : memref<8x512xf32, #tpu.memory_space<vmem>>) offsets(%dma_start3A_147 : memref<8xi32, #tpu.memory_space<vmem>>) semaphore(%arg11 : memref<!tpu.dma_semaphore, #tpu.memory_space<semaphore_mem>>)
    %dma_start3A_151 = arith.constant 40 : i32
    %dma_start3A_152 = arith.constant 0 : i32
    %dma_start3A_153 = tpu.memref_slice %arg7[%dma_start3A_151, %dma_start3A_152] : memref<48x512xf32, #tpu.memory_space<vmem>> -> memref<8x512xf32, #tpu.memory_space<vmem>>
    %dma_start3A_154 = arith.constant 5128 : i32
    %dma_start3A_155 = tpu.memref_slice %arg5[%dma_start3A_154] : memref<6144xi32, #tpu.memory_space<vmem>> -> memref<8xi32, #tpu.memory_space<vmem>>
    %dma_start3A_156 = arith.constant 0 : i32
    %dma_start3A_157 = arith.constant 0 : i32
    %dma_start3A_158 = tpu.memref_slice %arg2[%dma_start3A_156, %dma_start3A_157] : memref<209x512xf32, #tpu.memory_space<hbm>> -> memref<209x512xf32, #tpu.memory_space<hbm>>
    tpu.enqueue_indirect_dma source(%dma_start3A_158 : memref<209x512xf32, #tpu.memory_space<hbm>>) target(%dma_start3A_153 : memref<8x512xf32, #tpu.memory_space<vmem>>) offsets(%dma_start3A_155 : memref<8xi32, #tpu.memory_space<vmem>>) semaphore(%arg11 : memref<!tpu.dma_semaphore, #tpu.memory_space<semaphore_mem>>)
    %dma_start3A_159 = arith.constant 0 : i32
    %dma_start3A_160 = arith.constant 0 : i32
    %dma_start3A_161 = tpu.memref_slice %arg8[%dma_start3A_159, %dma_start3A_160] : memref<48x512xf32, #tpu.memory_space<vmem>> -> memref<8x512xf32, #tpu.memory_space<vmem>>
    %dma_start3A_162 = arith.constant 16 : i32
    %dma_start3A_163 = tpu.memref_slice %arg5[%dma_start3A_162] : memref<6144xi32, #tpu.memory_space<vmem>> -> memref<8xi32, #tpu.memory_space<vmem>>
    %dma_start3A_164 = arith.constant 0 : i32
    %dma_start3A_165 = arith.constant 0 : i32
    %dma_start3A_166 = tpu.memref_slice %arg2[%dma_start3A_164, %dma_start3A_165] : memref<209x512xf32, #tpu.memory_space<hbm>> -> memref<209x512xf32, #tpu.memory_space<hbm>>
    tpu.enqueue_indirect_dma source(%dma_start3A_166 : memref<209x512xf32, #tpu.memory_space<hbm>>) target(%dma_start3A_161 : memref<8x512xf32, #tpu.memory_space<vmem>>) offsets(%dma_start3A_163 : memref<8xi32, #tpu.memory_space<vmem>>) semaphore(%arg12 : memref<!tpu.dma_semaphore, #tpu.memory_space<semaphore_mem>>)
    %dma_start3A_167 = arith.constant 8 : i32
    %dma_start3A_168 = arith.constant 0 : i32
    %dma_start3A_169 = tpu.memref_slice %arg8[%dma_start3A_167, %dma_start3A_168] : memref<48x512xf32, #tpu.memory_space<vmem>> -> memref<8x512xf32, #tpu.memory_space<vmem>>
    %dma_start3A_170 = arith.constant 1040 : i32
    %dma_start3A_171 = tpu.memref_slice %arg5[%dma_start3A_170] : memref<6144xi32, #tpu.memory_space<vmem>> -> memref<8xi32, #tpu.memory_space<vmem>>
    %dma_start3A_172 = arith.constant 0 : i32
    %dma_start3A_173 = arith.constant 0 : i32
    %dma_start3A_174 = tpu.memref_slice %arg2[%dma_start3A_172, %dma_start3A_173] : memref<209x512xf32, #tpu.memory_space<hbm>> -> memref<209x512xf32, #tpu.memory_space<hbm>>
    tpu.enqueue_indirect_dma source(%dma_start3A_174 : memref<209x512xf32, #tpu.memory_space<hbm>>) target(%dma_start3A_169 : memref<8x512xf32, #tpu.memory_space<vmem>>) offsets(%dma_start3A_171 : memref<8xi32, #tpu.memory_space<vmem>>) semaphore(%arg12 : memref<!tpu.dma_semaphore, #tpu.memory_space<semaphore_mem>>)
    %dma_start3A_175 = arith.constant 16 : i32
    %dma_start3A_176 = arith.constant 0 : i32
    %dma_start3A_177 = tpu.memref_slice %arg8[%dma_start3A_175, %dma_start3A_176] : memref<48x512xf32, #tpu.memory_space<vmem>> -> memref<8x512xf32, #tpu.memory_space<vmem>>
    %dma_start3A_178 = arith.constant 2064 : i32
    %dma_start3A_179 = tpu.memref_slice %arg5[%dma_start3A_178] : memref<6144xi32, #tpu.memory_space<vmem>> -> memref<8xi32, #tpu.memory_space<vmem>>
    %dma_start3A_180 = arith.constant 0 : i32
    %dma_start3A_181 = arith.constant 0 : i32
    %dma_start3A_182 = tpu.memref_slice %arg2[%dma_start3A_180, %dma_start3A_181] : memref<209x512xf32, #tpu.memory_space<hbm>> -> memref<209x512xf32, #tpu.memory_space<hbm>>
    tpu.enqueue_indirect_dma source(%dma_start3A_182 : memref<209x512xf32, #tpu.memory_space<hbm>>) target(%dma_start3A_177 : memref<8x512xf32, #tpu.memory_space<vmem>>) offsets(%dma_start3A_179 : memref<8xi32, #tpu.memory_space<vmem>>) semaphore(%arg12 : memref<!tpu.dma_semaphore, #tpu.memory_space<semaphore_mem>>)
    %dma_start3A_183 = arith.constant 24 : i32
    %dma_start3A_184 = arith.constant 0 : i32
    %dma_start3A_185 = tpu.memref_slice %arg8[%dma_start3A_183, %dma_start3A_184] : memref<48x512xf32, #tpu.memory_space<vmem>> -> memref<8x512xf32, #tpu.memory_space<vmem>>
    %dma_start3A_186 = arith.constant 3088 : i32
    %dma_start3A_187 = tpu.memref_slice %arg5[%dma_start3A_186] : memref<6144xi32, #tpu.memory_space<vmem>> -> memref<8xi32, #tpu.memory_space<vmem>>
    %dma_start3A_188 = arith.constant 0 : i32
    %dma_start3A_189 = arith.constant 0 : i32
    %dma_start3A_190 = tpu.memref_slice %arg2[%dma_start3A_188, %dma_start3A_189] : memref<209x512xf32, #tpu.memory_space<hbm>> -> memref<209x512xf32, #tpu.memory_space<hbm>>
    tpu.enqueue_indirect_dma source(%dma_start3A_190 : memref<209x512xf32, #tpu.memory_space<hbm>>) target(%dma_start3A_185 : memref<8x512xf32, #tpu.memory_space<vmem>>) offsets(%dma_start3A_187 : memref<8xi32, #tpu.memory_space<vmem>>) semaphore(%arg12 : memref<!tpu.dma_semaphore, #tpu.memory_space<semaphore_mem>>)
    %dma_start3A_191 = arith.constant 32 : i32
    %dma_start3A_192 = arith.constant 0 : i32
    %dma_start3A_193 = tpu.memref_slice %arg8[%dma_start3A_191, %dma_start3A_192] : memref<48x512xf32, #tpu.memory_space<vmem>> -> memref<8x512xf32, #tpu.memory_space<vmem>>
    %dma_start3A_194 = arith.constant 4112 : i32
    %dma_start3A_195 = tpu.memref_slice %arg5[%dma_start3A_194] : memref<6144xi32, #tpu.memory_space<vmem>> -> memref<8xi32, #tpu.memory_space<vmem>>
    %dma_start3A_196 = arith.constant 0 : i32
    %dma_start3A_197 = arith.constant 0 : i32
    %dma_start3A_198 = tpu.memref_slice %arg2[%dma_start3A_196, %dma_start3A_197] : memref<209x512xf32, #tpu.memory_space<hbm>> -> memref<209x512xf32, #tpu.memory_space<hbm>>
    tpu.enqueue_indirect_dma source(%dma_start3A_198 : memref<209x512xf32, #tpu.memory_space<hbm>>) target(%dma_start3A_193 : memref<8x512xf32, #tpu.memory_space<vmem>>) offsets(%dma_start3A_195 : memref<8xi32, #tpu.memory_space<vmem>>) semaphore(%arg12 : memref<!tpu.dma_semaphore, #tpu.memory_space<semaphore_mem>>)
    %dma_start3A_199 = arith.constant 40 : i32
    %dma_start3A_200 = arith.constant 0 : i32
    %dma_start3A_201 = tpu.memref_slice %arg8[%dma_start3A_199, %dma_start3A_200] : memref<48x512xf32, #tpu.memory_space<vmem>> -> memref<8x512xf32, #tpu.memory_space<vmem>>
    %dma_start3A_202 = arith.constant 5136 : i32
    %dma_start3A_203 = tpu.memref_slice %arg5[%dma_start3A_202] : memref<6144xi32, #tpu.memory_space<vmem>> -> memref<8xi32, #tpu.memory_space<vmem>>
    %dma_start3A_204 = arith.constant 0 : i32
    %dma_start3A_205 = arith.constant 0 : i32
    %dma_start3A_206 = tpu.memref_slice %arg2[%dma_start3A_204, %dma_start3A_205] : memref<209x512xf32, #tpu.memory_space<hbm>> -> memref<209x512xf32, #tpu.memory_space<hbm>>
    tpu.enqueue_indirect_dma source(%dma_start3A_206 : memref<209x512xf32, #tpu.memory_space<hbm>>) target(%dma_start3A_201 : memref<8x512xf32, #tpu.memory_space<vmem>>) offsets(%dma_start3A_203 : memref<8xi32, #tpu.memory_space<vmem>>) semaphore(%arg12 : memref<!tpu.dma_semaphore, #tpu.memory_space<semaphore_mem>>)
    %scan3A = arith.constant 0 : i32
    %scan3A_207 = arith.constant 32 : i32
    %scan3A_208 = arith.addi %scan3A, %scan3A_207 : i32
    %scan3A_209 = arith.constant 1 : i32
    scf.for %scan3A_242 = %scan3A to %scan3A_208 step %scan3A_209  : i32 {
      %mul3A_243 = arith.constant 4 : i32
      %mul3A_244 = arith.muli %mul3A_243, %scan3A_242 : i32
      %add3A_245 = arith.constant 0 : i32
      %add3A_246 = arith.addi %mul3A_244, %add3A_245 : i32
      %dma_wait3A_247 = arith.constant 0 : i32
      %dma_wait3A_248 = arith.constant 0 : i32
      %dma_wait3A_249 = tpu.memref_slice %arg6[%dma_wait3A_247, %dma_wait3A_248] : memref<48x512xf32, #tpu.memory_space<vmem>> -> memref<8x512xf32, #tpu.memory_space<vmem>>
      %dma_wait3A_250 = arith.constant 0 : i32
      %dma_wait3A_251 = tpu.memref_slice %arg5[%dma_wait3A_250] : memref<6144xi32, #tpu.memory_space<vmem>> -> memref<8xi32, #tpu.memory_space<vmem>>
      %dma_wait3A_252 = arith.constant 0 : i32
      %dma_wait3A_253 = arith.constant 0 : i32
      %dma_wait3A_254 = tpu.memref_slice %arg2[%dma_wait3A_252, %dma_wait3A_253] : memref<209x512xf32, #tpu.memory_space<hbm>> -> memref<209x512xf32, #tpu.memory_space<hbm>>
      tpu.wait_indirect_dma semaphore(%arg10 : memref<!tpu.dma_semaphore, #tpu.memory_space<semaphore_mem>>) src(%dma_wait3A_254 : memref<209x512xf32, #tpu.memory_space<hbm>>) dst(%dma_wait3A_249 : memref<8x512xf32, #tpu.memory_space<vmem>>)
      %dma_wait3A_255 = arith.constant 8 : i32
      %dma_wait3A_256 = arith.constant 0 : i32
      %dma_wait3A_257 = tpu.memref_slice %arg6[%dma_wait3A_255, %dma_wait3A_256] : memref<48x512xf32, #tpu.memory_space<vmem>> -> memref<8x512xf32, #tpu.memory_space<vmem>>
      %dma_wait3A_258 = arith.constant 1024 : i32
      %dma_wait3A_259 = tpu.memref_slice %arg5[%dma_wait3A_258] : memref<6144xi32, #tpu.memory_space<vmem>> -> memref<8xi32, #tpu.memory_space<vmem>>
      %dma_wait3A_260 = arith.constant 0 : i32
      %dma_wait3A_261 = arith.constant 0 : i32
      %dma_wait3A_262 = tpu.memref_slice %arg2[%dma_wait3A_260, %dma_wait3A_261] : memref<209x512xf32, #tpu.memory_space<hbm>> -> memref<209x512xf32, #tpu.memory_space<hbm>>
      tpu.wait_indirect_dma semaphore(%arg10 : memref<!tpu.dma_semaphore, #tpu.memory_space<semaphore_mem>>) src(%dma_wait3A_262 : memref<209x512xf32, #tpu.memory_space<hbm>>) dst(%dma_wait3A_257 : memref<8x512xf32, #tpu.memory_space<vmem>>)
      %dma_wait3A_263 = arith.constant 16 : i32
      %dma_wait3A_264 = arith.constant 0 : i32
      %dma_wait3A_265 = tpu.memref_slice %arg6[%dma_wait3A_263, %dma_wait3A_264] : memref<48x512xf32, #tpu.memory_space<vmem>> -> memref<8x512xf32, #tpu.memory_space<vmem>>
      %dma_wait3A_266 = arith.constant 2048 : i32
      %dma_wait3A_267 = tpu.memref_slice %arg5[%dma_wait3A_266] : memref<6144xi32, #tpu.memory_space<vmem>> -> memref<8xi32, #tpu.memory_space<vmem>>
      %dma_wait3A_268 = arith.constant 0 : i32
      %dma_wait3A_269 = arith.constant 0 : i32
      %dma_wait3A_270 = tpu.memref_slice %arg2[%dma_wait3A_268, %dma_wait3A_269] : memref<209x512xf32, #tpu.memory_space<hbm>> -> memref<209x512xf32, #tpu.memory_space<hbm>>
      tpu.wait_indirect_dma semaphore(%arg10 : memref<!tpu.dma_semaphore, #tpu.memory_space<semaphore_mem>>) src(%dma_wait3A_270 : memref<209x512xf32, #tpu.memory_space<hbm>>) dst(%dma_wait3A_265 : memref<8x512xf32, #tpu.memory_space<vmem>>)
      %dma_wait3A_271 = arith.constant 24 : i32
      %dma_wait3A_272 = arith.constant 0 : i32
      %dma_wait3A_273 = tpu.memref_slice %arg6[%dma_wait3A_271, %dma_wait3A_272] : memref<48x512xf32, #tpu.memory_space<vmem>> -> memref<8x512xf32, #tpu.memory_space<vmem>>
      %dma_wait3A_274 = arith.constant 3072 : i32
      %dma_wait3A_275 = tpu.memref_slice %arg5[%dma_wait3A_274] : memref<6144xi32, #tpu.memory_space<vmem>> -> memref<8xi32, #tpu.memory_space<vmem>>
      %dma_wait3A_276 = arith.constant 0 : i32
      %dma_wait3A_277 = arith.constant 0 : i32
      %dma_wait3A_278 = tpu.memref_slice %arg2[%dma_wait3A_276, %dma_wait3A_277] : memref<209x512xf32, #tpu.memory_space<hbm>> -> memref<209x512xf32, #tpu.memory_space<hbm>>
      tpu.wait_indirect_dma semaphore(%arg10 : memref<!tpu.dma_semaphore, #tpu.memory_space<semaphore_mem>>) src(%dma_wait3A_278 : memref<209x512xf32, #tpu.memory_space<hbm>>) dst(%dma_wait3A_273 : memref<8x512xf32, #tpu.memory_space<vmem>>)
      %dma_wait3A_279 = arith.constant 32 : i32
      %dma_wait3A_280 = arith.constant 0 : i32
      %dma_wait3A_281 = tpu.memref_slice %arg6[%dma_wait3A_279, %dma_wait3A_280] : memref<48x512xf32, #tpu.memory_space<vmem>> -> memref<8x512xf32, #tpu.memory_space<vmem>>
      %dma_wait3A_282 = arith.constant 4096 : i32
      %dma_wait3A_283 = tpu.memref_slice %arg5[%dma_wait3A_282] : memref<6144xi32, #tpu.memory_space<vmem>> -> memref<8xi32, #tpu.memory_space<vmem>>
      %dma_wait3A_284 = arith.constant 0 : i32
      %dma_wait3A_285 = arith.constant 0 : i32
      %dma_wait3A_286 = tpu.memref_slice %arg2[%dma_wait3A_284, %dma_wait3A_285] : memref<209x512xf32, #tpu.memory_space<hbm>> -> memref<209x512xf32, #tpu.memory_space<hbm>>
      tpu.wait_indirect_dma semaphore(%arg10 : memref<!tpu.dma_semaphore, #tpu.memory_space<semaphore_mem>>) src(%dma_wait3A_286 : memref<209x512xf32, #tpu.memory_space<hbm>>) dst(%dma_wait3A_281 : memref<8x512xf32, #tpu.memory_space<vmem>>)
      %dma_wait3A_287 = arith.constant 40 : i32
      %dma_wait3A_288 = arith.constant 0 : i32
      %dma_wait3A_289 = tpu.memref_slice %arg6[%dma_wait3A_287, %dma_wait3A_288] : memref<48x512xf32, #tpu.memory_space<vmem>> -> memref<8x512xf32, #tpu.memory_space<vmem>>
      %dma_wait3A_290 = arith.constant 5120 : i32
      %dma_wait3A_291 = tpu.memref_slice %arg5[%dma_wait3A_290] : memref<6144xi32, #tpu.memory_space<vmem>> -> memref<8xi32, #tpu.memory_space<vmem>>
      %dma_wait3A_292 = arith.constant 0 : i32
      %dma_wait3A_293 = arith.constant 0 : i32
      %dma_wait3A_294 = tpu.memref_slice %arg2[%dma_wait3A_292, %dma_wait3A_293] : memref<209x512xf32, #tpu.memory_space<hbm>> -> memref<209x512xf32, #tpu.memory_space<hbm>>
      tpu.wait_indirect_dma semaphore(%arg10 : memref<!tpu.dma_semaphore, #tpu.memory_space<semaphore_mem>>) src(%dma_wait3A_294 : memref<209x512xf32, #tpu.memory_space<hbm>>) dst(%dma_wait3A_289 : memref<8x512xf32, #tpu.memory_space<vmem>>)
      %add3A_295 = arith.addi %mul3A_2, %add3A_246 : i32
      %dma_start3A_296 = arith.constant 0 : i32
      %dma_start3A_297 = arith.constant 0 : i32
      %dma_start3A_298 = tpu.memref_slice %arg4[%add3A_295, %dma_start3A_296, %dma_start3A_297] : memref<4096x50x512xf32, #tpu.memory_space<hbm>> -> memref<1x48x512xf32, #tpu.memory_space<hbm>>
      %dma_start3A_299 = tpu.memref_squeeze %dma_start3A_298 : memref<1x48x512xf32, #tpu.memory_space<hbm>> -> memref<48x512xf32, #tpu.memory_space<hbm>>
      %dma_start3A_300 = arith.constant 0 : i32
      %dma_start3A_301 = arith.constant 0 : i32
      %dma_start3A_302 = tpu.memref_slice %arg4[%add3A_295, %dma_start3A_300, %dma_start3A_301] : memref<4096x50x512xf32, #tpu.memory_space<hbm>> -> memref<1x48x512xf32, #tpu.memory_space<hbm>>
      %dma_start3A_303 = tpu.memref_squeeze %dma_start3A_302 : memref<1x48x512xf32, #tpu.memory_space<hbm>> -> memref<48x512xf32, #tpu.memory_space<hbm>>
      tpu.enqueue_dma source(%arg6 : memref<48x512xf32, #tpu.memory_space<vmem>>) target(%dma_start3A_303 : memref<48x512xf32, #tpu.memory_space<hbm>>) target_semaphore(%arg14 : memref<!tpu.dma_semaphore, #tpu.memory_space<semaphore_mem>>)
      %add3A_304 = arith.constant 4 : i32
      %add3A_305 = arith.addi %add3A_246, %add3A_304 : i32
      %sub3A_306 = arith.constant 1 : i32
      %sub3A_307 = arith.subi %add3A_305, %sub3A_306 : i32
      %lt3A_308 = arith.constant 128 : i32
      %lt3A_309 = arith.cmpi slt, %sub3A_307, %lt3A_308 : i32
      %convert_element_type3A = arith.extui %lt3A_309 : i1 to i32
      %cond3A = arith.constant 0 : i32
      %cond3A_310 = arith.cmpi ne, %convert_element_type3A, %cond3A : i32
      scf.if %cond3A_310 {
        %sub3A_521 = arith.constant 1 : i32
        %sub3A_522 = arith.subi %add3A_246, %sub3A_521 : i32
        %ge3A = arith.constant 0 : i32
        %ge3A_523 = arith.cmpi sge, %sub3A_522, %ge3A : i32
        %convert_element_type3A_524 = arith.extui %ge3A_523 : i1 to i32
        %cond3A_525 = arith.constant 0 : i32
        %cond3A_526 = arith.cmpi ne, %convert_element_type3A_524, %cond3A_525 : i32
        scf.if %cond3A_526 {
          %dma_wait3A_597 = arith.constant 0 : i32
          %dma_wait3A_598 = arith.constant 0 : i32
          %dma_wait3A_599 = tpu.memref_slice %arg4[%mul3A_2, %dma_wait3A_597, %dma_wait3A_598] : memref<4096x50x512xf32, #tpu.memory_space<hbm>> -> memref<1x48x512xf32, #tpu.memory_space<hbm>>
          %dma_wait3A_600 = tpu.memref_squeeze %dma_wait3A_599 : memref<1x48x512xf32, #tpu.memory_space<hbm>> -> memref<48x512xf32, #tpu.memory_space<hbm>>
          %dma_wait3A_601 = arith.constant 0 : i32
          %dma_wait3A_602 = arith.constant 0 : i32
          %dma_wait3A_603 = tpu.memref_slice %arg4[%mul3A_2, %dma_wait3A_601, %dma_wait3A_602] : memref<4096x50x512xf32, #tpu.memory_space<hbm>> -> memref<1x48x512xf32, #tpu.memory_space<hbm>>
          %dma_wait3A_604 = tpu.memref_squeeze %dma_wait3A_603 : memref<1x48x512xf32, #tpu.memory_space<hbm>> -> memref<48x512xf32, #tpu.memory_space<hbm>>
          tpu.wait_dma2 semaphore(%arg17 : memref<!tpu.dma_semaphore, #tpu.memory_space<semaphore_mem>>) src(%arg9 : memref<48x512xf32, #tpu.memory_space<vmem>>) dst(%dma_wait3A_604 : memref<48x512xf32, #tpu.memory_space<hbm>>)
        } else {
        }
        %add3A_527 = arith.constant 4 : i32
        %add3A_528 = arith.addi %add3A_246, %add3A_527 : i32
        %sub3A_529 = arith.constant 1 : i32
        %sub3A_530 = arith.subi %add3A_528, %sub3A_529 : i32
        %mul3A_531 = arith.constant 8 : i32
        %mul3A_532 = arith.muli %sub3A_530, %mul3A_531 : i32
        %add3A_533 = arith.constant 0 : i32
        %add3A_534 = arith.addi %add3A_533, %mul3A_532 : i32
        %dma_start3A_535 = arith.constant 0 : i32
        %dma_start3A_536 = arith.constant 0 : i32
        %dma_start3A_537 = tpu.memref_slice %arg9[%dma_start3A_535, %dma_start3A_536] : memref<48x512xf32, #tpu.memory_space<vmem>> -> memref<8x512xf32, #tpu.memory_space<vmem>>
        %dma_start3A_538 = tpu.memref_slice %arg5[%add3A_534] : memref<6144xi32, #tpu.memory_space<vmem>> -> memref<8xi32, #tpu.memory_space<vmem>>
        %dma_start3A_539 = arith.constant 0 : i32
        %dma_start3A_540 = arith.constant 0 : i32
        %dma_start3A_541 = tpu.memref_slice %arg2[%dma_start3A_539, %dma_start3A_540] : memref<209x512xf32, #tpu.memory_space<hbm>> -> memref<209x512xf32, #tpu.memory_space<hbm>>
        tpu.enqueue_indirect_dma source(%dma_start3A_541 : memref<209x512xf32, #tpu.memory_space<hbm>>) target(%dma_start3A_537 : memref<8x512xf32, #tpu.memory_space<vmem>>) offsets(%dma_start3A_538 : memref<8xi32, #tpu.memory_space<vmem>>) semaphore(%arg13 : memref<!tpu.dma_semaphore, #tpu.memory_space<semaphore_mem>>)
        %mul3A_542 = arith.constant 8 : i32
        %mul3A_543 = arith.muli %sub3A_530, %mul3A_542 : i32
        %add3A_544 = arith.constant 1024 : i32
        %add3A_545 = arith.addi %add3A_544, %mul3A_543 : i32
        %dma_start3A_546 = arith.constant 8 : i32
        %dma_start3A_547 = arith.constant 0 : i32
        %dma_start3A_548 = tpu.memref_slice %arg9[%dma_start3A_546, %dma_start3A_547] : memref<48x512xf32, #tpu.memory_space<vmem>> -> memref<8x512xf32, #tpu.memory_space<vmem>>
        %dma_start3A_549 = tpu.memref_slice %arg5[%add3A_545] : memref<6144xi32, #tpu.memory_space<vmem>> -> memref<8xi32, #tpu.memory_space<vmem>>
        %dma_start3A_550 = arith.constant 0 : i32
        %dma_start3A_551 = arith.constant 0 : i32
        %dma_start3A_552 = tpu.memref_slice %arg2[%dma_start3A_550, %dma_start3A_551] : memref<209x512xf32, #tpu.memory_space<hbm>> -> memref<209x512xf32, #tpu.memory_space<hbm>>
        tpu.enqueue_indirect_dma source(%dma_start3A_552 : memref<209x512xf32, #tpu.memory_space<hbm>>) target(%dma_start3A_548 : memref<8x512xf32, #tpu.memory_space<vmem>>) offsets(%dma_start3A_549 : memref<8xi32, #tpu.memory_space<vmem>>) semaphore(%arg13 : memref<!tpu.dma_semaphore, #tpu.memory_space<semaphore_mem>>)
        %mul3A_553 = arith.constant 8 : i32
        %mul3A_554 = arith.muli %sub3A_530, %mul3A_553 : i32
        %add3A_555 = arith.constant 2048 : i32
        %add3A_556 = arith.addi %add3A_555, %mul3A_554 : i32
        %dma_start3A_557 = arith.constant 16 : i32
        %dma_start3A_558 = arith.constant 0 : i32
        %dma_start3A_559 = tpu.memref_slice %arg9[%dma_start3A_557, %dma_start3A_558] : memref<48x512xf32, #tpu.memory_space<vmem>> -> memref<8x512xf32, #tpu.memory_space<vmem>>
        %dma_start3A_560 = tpu.memref_slice %arg5[%add3A_556] : memref<6144xi32, #tpu.memory_space<vmem>> -> memref<8xi32, #tpu.memory_space<vmem>>
        %dma_start3A_561 = arith.constant 0 : i32
        %dma_start3A_562 = arith.constant 0 : i32
        %dma_start3A_563 = tpu.memref_slice %arg2[%dma_start3A_561, %dma_start3A_562] : memref<209x512xf32, #tpu.memory_space<hbm>> -> memref<209x512xf32, #tpu.memory_space<hbm>>
        tpu.enqueue_indirect_dma source(%dma_start3A_563 : memref<209x512xf32, #tpu.memory_space<hbm>>) target(%dma_start3A_559 : memref<8x512xf32, #tpu.memory_space<vmem>>) offsets(%dma_start3A_560 : memref<8xi32, #tpu.memory_space<vmem>>) semaphore(%arg13 : memref<!tpu.dma_semaphore, #tpu.memory_space<semaphore_mem>>)
        %mul3A_564 = arith.constant 8 : i32
        %mul3A_565 = arith.muli %sub3A_530, %mul3A_564 : i32
        %add3A_566 = arith.constant 3072 : i32
        %add3A_567 = arith.addi %add3A_566, %mul3A_565 : i32
        %dma_start3A_568 = arith.constant 24 : i32
        %dma_start3A_569 = arith.constant 0 : i32
        %dma_start3A_570 = tpu.memref_slice %arg9[%dma_start3A_568, %dma_start3A_569] : memref<48x512xf32, #tpu.memory_space<vmem>> -> memref<8x512xf32, #tpu.memory_space<vmem>>
        %dma_start3A_571 = tpu.memref_slice %arg5[%add3A_567] : memref<6144xi32, #tpu.memory_space<vmem>> -> memref<8xi32, #tpu.memory_space<vmem>>
        %dma_start3A_572 = arith.constant 0 : i32
        %dma_start3A_573 = arith.constant 0 : i32
        %dma_start3A_574 = tpu.memref_slice %arg2[%dma_start3A_572, %dma_start3A_573] : memref<209x512xf32, #tpu.memory_space<hbm>> -> memref<209x512xf32, #tpu.memory_space<hbm>>
        tpu.enqueue_indirect_dma source(%dma_start3A_574 : memref<209x512xf32, #tpu.memory_space<hbm>>) target(%dma_start3A_570 : memref<8x512xf32, #tpu.memory_space<vmem>>) offsets(%dma_start3A_571 : memref<8xi32, #tpu.memory_space<vmem>>) semaphore(%arg13 : memref<!tpu.dma_semaphore, #tpu.memory_space<semaphore_mem>>)
        %mul3A_575 = arith.constant 8 : i32
        %mul3A_576 = arith.muli %sub3A_530, %mul3A_575 : i32
        %add3A_577 = arith.constant 4096 : i32
        %add3A_578 = arith.addi %add3A_577, %mul3A_576 : i32
        %dma_start3A_579 = arith.constant 32 : i32
        %dma_start3A_580 = arith.constant 0 : i32
        %dma_start3A_581 = tpu.memref_slice %arg9[%dma_start3A_579, %dma_start3A_580] : memref<48x512xf32, #tpu.memory_space<vmem>> -> memref<8x512xf32, #tpu.memory_space<vmem>>
        %dma_start3A_582 = tpu.memref_slice %arg5[%add3A_578] : memref<6144xi32, #tpu.memory_space<vmem>> -> memref<8xi32, #tpu.memory_space<vmem>>
        %dma_start3A_583 = arith.constant 0 : i32
        %dma_start3A_584 = arith.constant 0 : i32
        %dma_start3A_585 = tpu.memref_slice %arg2[%dma_start3A_583, %dma_start3A_584] : memref<209x512xf32, #tpu.memory_space<hbm>> -> memref<209x512xf32, #tpu.memory_space<hbm>>
        tpu.enqueue_indirect_dma source(%dma_start3A_585 : memref<209x512xf32, #tpu.memory_space<hbm>>) target(%dma_start3A_581 : memref<8x512xf32, #tpu.memory_space<vmem>>) offsets(%dma_start3A_582 : memref<8xi32, #tpu.memory_space<vmem>>) semaphore(%arg13 : memref<!tpu.dma_semaphore, #tpu.memory_space<semaphore_mem>>)
        %mul3A_586 = arith.constant 8 : i32
        %mul3A_587 = arith.muli %sub3A_530, %mul3A_586 : i32
        %add3A_588 = arith.constant 5120 : i32
        %add3A_589 = arith.addi %add3A_588, %mul3A_587 : i32
        %dma_start3A_590 = arith.constant 40 : i32
        %dma_start3A_591 = arith.constant 0 : i32
        %dma_start3A_592 = tpu.memref_slice %arg9[%dma_start3A_590, %dma_start3A_591] : memref<48x512xf32, #tpu.memory_space<vmem>> -> memref<8x512xf32, #tpu.memory_space<vmem>>
        %dma_start3A_593 = tpu.memref_slice %arg5[%add3A_589] : memref<6144xi32, #tpu.memory_space<vmem>> -> memref<8xi32, #tpu.memory_space<vmem>>
        %dma_start3A_594 = arith.constant 0 : i32
        %dma_start3A_595 = arith.constant 0 : i32
        %dma_start3A_596 = tpu.memref_slice %arg2[%dma_start3A_594, %dma_start3A_595] : memref<209x512xf32, #tpu.memory_space<hbm>> -> memref<209x512xf32, #tpu.memory_space<hbm>>
        tpu.enqueue_indirect_dma source(%dma_start3A_596 : memref<209x512xf32, #tpu.memory_space<hbm>>) target(%dma_start3A_592 : memref<8x512xf32, #tpu.memory_space<vmem>>) offsets(%dma_start3A_593 : memref<8xi32, #tpu.memory_space<vmem>>) semaphore(%arg13 : memref<!tpu.dma_semaphore, #tpu.memory_space<semaphore_mem>>)
      } else {
      }
      %mul3A_311 = arith.constant 4 : i32
      %mul3A_312 = arith.muli %mul3A_311, %scan3A_242 : i32
      %add3A_313 = arith.constant 1 : i32
      %add3A_314 = arith.addi %mul3A_312, %add3A_313 : i32
      %dma_wait3A_315 = arith.constant 0 : i32
      %dma_wait3A_316 = arith.constant 0 : i32
      %dma_wait3A_317 = tpu.memref_slice %arg7[%dma_wait3A_315, %dma_wait3A_316] : memref<48x512xf32, #tpu.memory_space<vmem>> -> memref<8x512xf32, #tpu.memory_space<vmem>>
      %dma_wait3A_318 = arith.constant 0 : i32
      %dma_wait3A_319 = tpu.memref_slice %arg5[%dma_wait3A_318] : memref<6144xi32, #tpu.memory_space<vmem>> -> memref<8xi32, #tpu.memory_space<vmem>>
      %dma_wait3A_320 = arith.constant 0 : i32
      %dma_wait3A_321 = arith.constant 0 : i32
      %dma_wait3A_322 = tpu.memref_slice %arg2[%dma_wait3A_320, %dma_wait3A_321] : memref<209x512xf32, #tpu.memory_space<hbm>> -> memref<209x512xf32, #tpu.memory_space<hbm>>
      tpu.wait_indirect_dma semaphore(%arg11 : memref<!tpu.dma_semaphore, #tpu.memory_space<semaphore_mem>>) src(%dma_wait3A_322 : memref<209x512xf32, #tpu.memory_space<hbm>>) dst(%dma_wait3A_317 : memref<8x512xf32, #tpu.memory_space<vmem>>)
      %dma_wait3A_323 = arith.constant 8 : i32
      %dma_wait3A_324 = arith.constant 0 : i32
      %dma_wait3A_325 = tpu.memref_slice %arg7[%dma_wait3A_323, %dma_wait3A_324] : memref<48x512xf32, #tpu.memory_space<vmem>> -> memref<8x512xf32, #tpu.memory_space<vmem>>
      %dma_wait3A_326 = arith.constant 1024 : i32
      %dma_wait3A_327 = tpu.memref_slice %arg5[%dma_wait3A_326] : memref<6144xi32, #tpu.memory_space<vmem>> -> memref<8xi32, #tpu.memory_space<vmem>>
      %dma_wait3A_328 = arith.constant 0 : i32
      %dma_wait3A_329 = arith.constant 0 : i32
      %dma_wait3A_330 = tpu.memref_slice %arg2[%dma_wait3A_328, %dma_wait3A_329] : memref<209x512xf32, #tpu.memory_space<hbm>> -> memref<209x512xf32, #tpu.memory_space<hbm>>
      tpu.wait_indirect_dma semaphore(%arg11 : memref<!tpu.dma_semaphore, #tpu.memory_space<semaphore_mem>>) src(%dma_wait3A_330 : memref<209x512xf32, #tpu.memory_space<hbm>>) dst(%dma_wait3A_325 : memref<8x512xf32, #tpu.memory_space<vmem>>)
      %dma_wait3A_331 = arith.constant 16 : i32
      %dma_wait3A_332 = arith.constant 0 : i32
      %dma_wait3A_333 = tpu.memref_slice %arg7[%dma_wait3A_331, %dma_wait3A_332] : memref<48x512xf32, #tpu.memory_space<vmem>> -> memref<8x512xf32, #tpu.memory_space<vmem>>
      %dma_wait3A_334 = arith.constant 2048 : i32
      %dma_wait3A_335 = tpu.memref_slice %arg5[%dma_wait3A_334] : memref<6144xi32, #tpu.memory_space<vmem>> -> memref<8xi32, #tpu.memory_space<vmem>>
      %dma_wait3A_336 = arith.constant 0 : i32
      %dma_wait3A_337 = arith.constant 0 : i32
      %dma_wait3A_338 = tpu.memref_slice %arg2[%dma_wait3A_336, %dma_wait3A_337] : memref<209x512xf32, #tpu.memory_space<hbm>> -> memref<209x512xf32, #tpu.memory_space<hbm>>
      tpu.wait_indirect_dma semaphore(%arg11 : memref<!tpu.dma_semaphore, #tpu.memory_space<semaphore_mem>>) src(%dma_wait3A_338 : memref<209x512xf32, #tpu.memory_space<hbm>>) dst(%dma_wait3A_333 : memref<8x512xf32, #tpu.memory_space<vmem>>)
      %dma_wait3A_339 = arith.constant 24 : i32
      %dma_wait3A_340 = arith.constant 0 : i32
      %dma_wait3A_341 = tpu.memref_slice %arg7[%dma_wait3A_339, %dma_wait3A_340] : memref<48x512xf32, #tpu.memory_space<vmem>> -> memref<8x512xf32, #tpu.memory_space<vmem>>
      %dma_wait3A_342 = arith.constant 3072 : i32
      %dma_wait3A_343 = tpu.memref_slice %arg5[%dma_wait3A_342] : memref<6144xi32, #tpu.memory_space<vmem>> -> memref<8xi32, #tpu.memory_space<vmem>>
      %dma_wait3A_344 = arith.constant 0 : i32
      %dma_wait3A_345 = arith.constant 0 : i32
      %dma_wait3A_346 = tpu.memref_slice %arg2[%dma_wait3A_344, %dma_wait3A_345] : memref<209x512xf32, #tpu.memory_space<hbm>> -> memref<209x512xf32, #tpu.memory_space<hbm>>
      tpu.wait_indirect_dma semaphore(%arg11 : memref<!tpu.dma_semaphore, #tpu.memory_space<semaphore_mem>>) src(%dma_wait3A_346 : memref<209x512xf32, #tpu.memory_space<hbm>>) dst(%dma_wait3A_341 : memref<8x512xf32, #tpu.memory_space<vmem>>)
      %dma_wait3A_347 = arith.constant 32 : i32
      %dma_wait3A_348 = arith.constant 0 : i32
      %dma_wait3A_349 = tpu.memref_slice %arg7[%dma_wait3A_347, %dma_wait3A_348] : memref<48x512xf32, #tpu.memory_space<vmem>> -> memref<8x512xf32, #tpu.memory_space<vmem>>
      %dma_wait3A_350 = arith.constant 4096 : i32
      %dma_wait3A_351 = tpu.memref_slice %arg5[%dma_wait3A_350] : memref<6144xi32, #tpu.memory_space<vmem>> -> memref<8xi32, #tpu.memory_space<vmem>>
      %dma_wait3A_352 = arith.constant 0 : i32
      %dma_wait3A_353 = arith.constant 0 : i32
      %dma_wait3A_354 = tpu.memref_slice %arg2[%dma_wait3A_352, %dma_wait3A_353] : memref<209x512xf32, #tpu.memory_space<hbm>> -> memref<209x512xf32, #tpu.memory_space<hbm>>
      tpu.wait_indirect_dma semaphore(%arg11 : memref<!tpu.dma_semaphore, #tpu.memory_space<semaphore_mem>>) src(%dma_wait3A_354 : memref<209x512xf32, #tpu.memory_space<hbm>>) dst(%dma_wait3A_349 : memref<8x512xf32, #tpu.memory_space<vmem>>)
      %dma_wait3A_355 = arith.constant 40 : i32
      %dma_wait3A_356 = arith.constant 0 : i32
      %dma_wait3A_357 = tpu.memref_slice %arg7[%dma_wait3A_355, %dma_wait3A_356] : memref<48x512xf32, #tpu.memory_space<vmem>> -> memref<8x512xf32, #tpu.memory_space<vmem>>
      %dma_wait3A_358 = arith.constant 5120 : i32
      %dma_wait3A_359 = tpu.memref_slice %arg5[%dma_wait3A_358] : memref<6144xi32, #tpu.memory_space<vmem>> -> memref<8xi32, #tpu.memory_space<vmem>>
      %dma_wait3A_360 = arith.constant 0 : i32
      %dma_wait3A_361 = arith.constant 0 : i32
      %dma_wait3A_362 = tpu.memref_slice %arg2[%dma_wait3A_360, %dma_wait3A_361] : memref<209x512xf32, #tpu.memory_space<hbm>> -> memref<209x512xf32, #tpu.memory_space<hbm>>
      tpu.wait_indirect_dma semaphore(%arg11 : memref<!tpu.dma_semaphore, #tpu.memory_space<semaphore_mem>>) src(%dma_wait3A_362 : memref<209x512xf32, #tpu.memory_space<hbm>>) dst(%dma_wait3A_357 : memref<8x512xf32, #tpu.memory_space<vmem>>)
      %add3A_363 = arith.addi %mul3A_2, %add3A_314 : i32
      %dma_start3A_364 = arith.constant 0 : i32
      %dma_start3A_365 = arith.constant 0 : i32
      %dma_start3A_366 = tpu.memref_slice %arg4[%add3A_363, %dma_start3A_364, %dma_start3A_365] : memref<4096x50x512xf32, #tpu.memory_space<hbm>> -> memref<1x48x512xf32, #tpu.memory_space<hbm>>
      %dma_start3A_367 = tpu.memref_squeeze %dma_start3A_366 : memref<1x48x512xf32, #tpu.memory_space<hbm>> -> memref<48x512xf32, #tpu.memory_space<hbm>>
      %dma_start3A_368 = arith.constant 0 : i32
      %dma_start3A_369 = arith.constant 0 : i32
      %dma_start3A_370 = tpu.memref_slice %arg4[%add3A_363, %dma_start3A_368, %dma_start3A_369] : memref<4096x50x512xf32, #tpu.memory_space<hbm>> -> memref<1x48x512xf32, #tpu.memory_space<hbm>>
      %dma_start3A_371 = tpu.memref_squeeze %dma_start3A_370 : memref<1x48x512xf32, #tpu.memory_space<hbm>> -> memref<48x512xf32, #tpu.memory_space<hbm>>
      tpu.enqueue_dma source(%arg7 : memref<48x512xf32, #tpu.memory_space<vmem>>) target(%dma_start3A_371 : memref<48x512xf32, #tpu.memory_space<hbm>>) target_semaphore(%arg15 : memref<!tpu.dma_semaphore, #tpu.memory_space<semaphore_mem>>)
      %add3A_372 = arith.constant 4 : i32
      %add3A_373 = arith.addi %add3A_314, %add3A_372 : i32
      %sub3A_374 = arith.constant 1 : i32
      %sub3A_375 = arith.subi %add3A_373, %sub3A_374 : i32
      %lt3A_376 = arith.constant 128 : i32
      %lt3A_377 = arith.cmpi slt, %sub3A_375, %lt3A_376 : i32
      %convert_element_type3A_378 = arith.extui %lt3A_377 : i1 to i32
      %cond3A_379 = arith.constant 0 : i32
      %cond3A_380 = arith.cmpi ne, %convert_element_type3A_378, %cond3A_379 : i32
      scf.if %cond3A_380 {
        %sub3A_521 = arith.constant 1 : i32
        %sub3A_522 = arith.subi %add3A_314, %sub3A_521 : i32
        %ge3A = arith.constant 0 : i32
        %ge3A_523 = arith.cmpi sge, %sub3A_522, %ge3A : i32
        %convert_element_type3A_524 = arith.extui %ge3A_523 : i1 to i32
        %cond3A_525 = arith.constant 0 : i32
        %cond3A_526 = arith.cmpi ne, %convert_element_type3A_524, %cond3A_525 : i32
        scf.if %cond3A_526 {
          %dma_wait3A_597 = arith.constant 0 : i32
          %dma_wait3A_598 = arith.constant 0 : i32
          %dma_wait3A_599 = tpu.memref_slice %arg4[%mul3A_2, %dma_wait3A_597, %dma_wait3A_598] : memref<4096x50x512xf32, #tpu.memory_space<hbm>> -> memref<1x48x512xf32, #tpu.memory_space<hbm>>
          %dma_wait3A_600 = tpu.memref_squeeze %dma_wait3A_599 : memref<1x48x512xf32, #tpu.memory_space<hbm>> -> memref<48x512xf32, #tpu.memory_space<hbm>>
          %dma_wait3A_601 = arith.constant 0 : i32
          %dma_wait3A_602 = arith.constant 0 : i32
          %dma_wait3A_603 = tpu.memref_slice %arg4[%mul3A_2, %dma_wait3A_601, %dma_wait3A_602] : memref<4096x50x512xf32, #tpu.memory_space<hbm>> -> memref<1x48x512xf32, #tpu.memory_space<hbm>>
          %dma_wait3A_604 = tpu.memref_squeeze %dma_wait3A_603 : memref<1x48x512xf32, #tpu.memory_space<hbm>> -> memref<48x512xf32, #tpu.memory_space<hbm>>
          tpu.wait_dma2 semaphore(%arg14 : memref<!tpu.dma_semaphore, #tpu.memory_space<semaphore_mem>>) src(%arg6 : memref<48x512xf32, #tpu.memory_space<vmem>>) dst(%dma_wait3A_604 : memref<48x512xf32, #tpu.memory_space<hbm>>)
        } else {
        }
        %add3A_527 = arith.constant 4 : i32
        %add3A_528 = arith.addi %add3A_314, %add3A_527 : i32
        %sub3A_529 = arith.constant 1 : i32
        %sub3A_530 = arith.subi %add3A_528, %sub3A_529 : i32
        %mul3A_531 = arith.constant 8 : i32
        %mul3A_532 = arith.muli %sub3A_530, %mul3A_531 : i32
        %add3A_533 = arith.constant 0 : i32
        %add3A_534 = arith.addi %add3A_533, %mul3A_532 : i32
        %dma_start3A_535 = arith.constant 0 : i32
        %dma_start3A_536 = arith.constant 0 : i32
        %dma_start3A_537 = tpu.memref_slice %arg6[%dma_start3A_535, %dma_start3A_536] : memref<48x512xf32, #tpu.memory_space<vmem>> -> memref<8x512xf32, #tpu.memory_space<vmem>>
        %dma_start3A_538 = tpu.memref_slice %arg5[%add3A_534] : memref<6144xi32, #tpu.memory_space<vmem>> -> memref<8xi32, #tpu.memory_space<vmem>>
        %dma_start3A_539 = arith.constant 0 : i32
        %dma_start3A_540 = arith.constant 0 : i32
        %dma_start3A_541 = tpu.memref_slice %arg2[%dma_start3A_539, %dma_start3A_540] : memref<209x512xf32, #tpu.memory_space<hbm>> -> memref<209x512xf32, #tpu.memory_space<hbm>>
        tpu.enqueue_indirect_dma source(%dma_start3A_541 : memref<209x512xf32, #tpu.memory_space<hbm>>) target(%dma_start3A_537 : memref<8x512xf32, #tpu.memory_space<vmem>>) offsets(%dma_start3A_538 : memref<8xi32, #tpu.memory_space<vmem>>) semaphore(%arg10 : memref<!tpu.dma_semaphore, #tpu.memory_space<semaphore_mem>>)
        %mul3A_542 = arith.constant 8 : i32
        %mul3A_543 = arith.muli %sub3A_530, %mul3A_542 : i32
        %add3A_544 = arith.constant 1024 : i32
        %add3A_545 = arith.addi %add3A_544, %mul3A_543 : i32
        %dma_start3A_546 = arith.constant 8 : i32
        %dma_start3A_547 = arith.constant 0 : i32
        %dma_start3A_548 = tpu.memref_slice %arg6[%dma_start3A_546, %dma_start3A_547] : memref<48x512xf32, #tpu.memory_space<vmem>> -> memref<8x512xf32, #tpu.memory_space<vmem>>
        %dma_start3A_549 = tpu.memref_slice %arg5[%add3A_545] : memref<6144xi32, #tpu.memory_space<vmem>> -> memref<8xi32, #tpu.memory_space<vmem>>
        %dma_start3A_550 = arith.constant 0 : i32
        %dma_start3A_551 = arith.constant 0 : i32
        %dma_start3A_552 = tpu.memref_slice %arg2[%dma_start3A_550, %dma_start3A_551] : memref<209x512xf32, #tpu.memory_space<hbm>> -> memref<209x512xf32, #tpu.memory_space<hbm>>
        tpu.enqueue_indirect_dma source(%dma_start3A_552 : memref<209x512xf32, #tpu.memory_space<hbm>>) target(%dma_start3A_548 : memref<8x512xf32, #tpu.memory_space<vmem>>) offsets(%dma_start3A_549 : memref<8xi32, #tpu.memory_space<vmem>>) semaphore(%arg10 : memref<!tpu.dma_semaphore, #tpu.memory_space<semaphore_mem>>)
        %mul3A_553 = arith.constant 8 : i32
        %mul3A_554 = arith.muli %sub3A_530, %mul3A_553 : i32
        %add3A_555 = arith.constant 2048 : i32
        %add3A_556 = arith.addi %add3A_555, %mul3A_554 : i32
        %dma_start3A_557 = arith.constant 16 : i32
        %dma_start3A_558 = arith.constant 0 : i32
        %dma_start3A_559 = tpu.memref_slice %arg6[%dma_start3A_557, %dma_start3A_558] : memref<48x512xf32, #tpu.memory_space<vmem>> -> memref<8x512xf32, #tpu.memory_space<vmem>>
        %dma_start3A_560 = tpu.memref_slice %arg5[%add3A_556] : memref<6144xi32, #tpu.memory_space<vmem>> -> memref<8xi32, #tpu.memory_space<vmem>>
        %dma_start3A_561 = arith.constant 0 : i32
        %dma_start3A_562 = arith.constant 0 : i32
        %dma_start3A_563 = tpu.memref_slice %arg2[%dma_start3A_561, %dma_start3A_562] : memref<209x512xf32, #tpu.memory_space<hbm>> -> memref<209x512xf32, #tpu.memory_space<hbm>>
        tpu.enqueue_indirect_dma source(%dma_start3A_563 : memref<209x512xf32, #tpu.memory_space<hbm>>) target(%dma_start3A_559 : memref<8x512xf32, #tpu.memory_space<vmem>>) offsets(%dma_start3A_560 : memref<8xi32, #tpu.memory_space<vmem>>) semaphore(%arg10 : memref<!tpu.dma_semaphore, #tpu.memory_space<semaphore_mem>>)
        %mul3A_564 = arith.constant 8 : i32
        %mul3A_565 = arith.muli %sub3A_530, %mul3A_564 : i32
        %add3A_566 = arith.constant 3072 : i32
        %add3A_567 = arith.addi %add3A_566, %mul3A_565 : i32
        %dma_start3A_568 = arith.constant 24 : i32
        %dma_start3A_569 = arith.constant 0 : i32
        %dma_start3A_570 = tpu.memref_slice %arg6[%dma_start3A_568, %dma_start3A_569] : memref<48x512xf32, #tpu.memory_space<vmem>> -> memref<8x512xf32, #tpu.memory_space<vmem>>
        %dma_start3A_571 = tpu.memref_slice %arg5[%add3A_567] : memref<6144xi32, #tpu.memory_space<vmem>> -> memref<8xi32, #tpu.memory_space<vmem>>
        %dma_start3A_572 = arith.constant 0 : i32
        %dma_start3A_573 = arith.constant 0 : i32
        %dma_start3A_574 = tpu.memref_slice %arg2[%dma_start3A_572, %dma_start3A_573] : memref<209x512xf32, #tpu.memory_space<hbm>> -> memref<209x512xf32, #tpu.memory_space<hbm>>
        tpu.enqueue_indirect_dma source(%dma_start3A_574 : memref<209x512xf32, #tpu.memory_space<hbm>>) target(%dma_start3A_570 : memref<8x512xf32, #tpu.memory_space<vmem>>) offsets(%dma_start3A_571 : memref<8xi32, #tpu.memory_space<vmem>>) semaphore(%arg10 : memref<!tpu.dma_semaphore, #tpu.memory_space<semaphore_mem>>)
        %mul3A_575 = arith.constant 8 : i32
        %mul3A_576 = arith.muli %sub3A_530, %mul3A_575 : i32
        %add3A_577 = arith.constant 4096 : i32
        %add3A_578 = arith.addi %add3A_577, %mul3A_576 : i32
        %dma_start3A_579 = arith.constant 32 : i32
        %dma_start3A_580 = arith.constant 0 : i32
        %dma_start3A_581 = tpu.memref_slice %arg6[%dma_start3A_579, %dma_start3A_580] : memref<48x512xf32, #tpu.memory_space<vmem>> -> memref<8x512xf32, #tpu.memory_space<vmem>>
        %dma_start3A_582 = tpu.memref_slice %arg5[%add3A_578] : memref<6144xi32, #tpu.memory_space<vmem>> -> memref<8xi32, #tpu.memory_space<vmem>>
        %dma_start3A_583 = arith.constant 0 : i32
        %dma_start3A_584 = arith.constant 0 : i32
        %dma_start3A_585 = tpu.memref_slice %arg2[%dma_start3A_583, %dma_start3A_584] : memref<209x512xf32, #tpu.memory_space<hbm>> -> memref<209x512xf32, #tpu.memory_space<hbm>>
        tpu.enqueue_indirect_dma source(%dma_start3A_585 : memref<209x512xf32, #tpu.memory_space<hbm>>) target(%dma_start3A_581 : memref<8x512xf32, #tpu.memory_space<vmem>>) offsets(%dma_start3A_582 : memref<8xi32, #tpu.memory_space<vmem>>) semaphore(%arg10 : memref<!tpu.dma_semaphore, #tpu.memory_space<semaphore_mem>>)
        %mul3A_586 = arith.constant 8 : i32
        %mul3A_587 = arith.muli %sub3A_530, %mul3A_586 : i32
        %add3A_588 = arith.constant 5120 : i32
        %add3A_589 = arith.addi %add3A_588, %mul3A_587 : i32
        %dma_start3A_590 = arith.constant 40 : i32
        %dma_start3A_591 = arith.constant 0 : i32
        %dma_start3A_592 = tpu.memref_slice %arg6[%dma_start3A_590, %dma_start3A_591] : memref<48x512xf32, #tpu.memory_space<vmem>> -> memref<8x512xf32, #tpu.memory_space<vmem>>
        %dma_start3A_593 = tpu.memref_slice %arg5[%add3A_589] : memref<6144xi32, #tpu.memory_space<vmem>> -> memref<8xi32, #tpu.memory_space<vmem>>
        %dma_start3A_594 = arith.constant 0 : i32
        %dma_start3A_595 = arith.constant 0 : i32
        %dma_start3A_596 = tpu.memref_slice %arg2[%dma_start3A_594, %dma_start3A_595] : memref<209x512xf32, #tpu.memory_space<hbm>> -> memref<209x512xf32, #tpu.memory_space<hbm>>
        tpu.enqueue_indirect_dma source(%dma_start3A_596 : memref<209x512xf32, #tpu.memory_space<hbm>>) target(%dma_start3A_592 : memref<8x512xf32, #tpu.memory_space<vmem>>) offsets(%dma_start3A_593 : memref<8xi32, #tpu.memory_space<vmem>>) semaphore(%arg10 : memref<!tpu.dma_semaphore, #tpu.memory_space<semaphore_mem>>)
      } else {
      }
      %mul3A_381 = arith.constant 4 : i32
      %mul3A_382 = arith.muli %mul3A_381, %scan3A_242 : i32
      %add3A_383 = arith.constant 2 : i32
      %add3A_384 = arith.addi %mul3A_382, %add3A_383 : i32
      %dma_wait3A_385 = arith.constant 0 : i32
      %dma_wait3A_386 = arith.constant 0 : i32
      %dma_wait3A_387 = tpu.memref_slice %arg8[%dma_wait3A_385, %dma_wait3A_386] : memref<48x512xf32, #tpu.memory_space<vmem>> -> memref<8x512xf32, #tpu.memory_space<vmem>>
      %dma_wait3A_388 = arith.constant 0 : i32
      %dma_wait3A_389 = tpu.memref_slice %arg5[%dma_wait3A_388] : memref<6144xi32, #tpu.memory_space<vmem>> -> memref<8xi32, #tpu.memory_space<vmem>>
      %dma_wait3A_390 = arith.constant 0 : i32
      %dma_wait3A_391 = arith.constant 0 : i32
      %dma_wait3A_392 = tpu.memref_slice %arg2[%dma_wait3A_390, %dma_wait3A_391] : memref<209x512xf32, #tpu.memory_space<hbm>> -> memref<209x512xf32, #tpu.memory_space<hbm>>
      tpu.wait_indirect_dma semaphore(%arg12 : memref<!tpu.dma_semaphore, #tpu.memory_space<semaphore_mem>>) src(%dma_wait3A_392 : memref<209x512xf32, #tpu.memory_space<hbm>>) dst(%dma_wait3A_387 : memref<8x512xf32, #tpu.memory_space<vmem>>)
      %dma_wait3A_393 = arith.constant 8 : i32
      %dma_wait3A_394 = arith.constant 0 : i32
      %dma_wait3A_395 = tpu.memref_slice %arg8[%dma_wait3A_393, %dma_wait3A_394] : memref<48x512xf32, #tpu.memory_space<vmem>> -> memref<8x512xf32, #tpu.memory_space<vmem>>
      %dma_wait3A_396 = arith.constant 1024 : i32
      %dma_wait3A_397 = tpu.memref_slice %arg5[%dma_wait3A_396] : memref<6144xi32, #tpu.memory_space<vmem>> -> memref<8xi32, #tpu.memory_space<vmem>>
      %dma_wait3A_398 = arith.constant 0 : i32
      %dma_wait3A_399 = arith.constant 0 : i32
      %dma_wait3A_400 = tpu.memref_slice %arg2[%dma_wait3A_398, %dma_wait3A_399] : memref<209x512xf32, #tpu.memory_space<hbm>> -> memref<209x512xf32, #tpu.memory_space<hbm>>
      tpu.wait_indirect_dma semaphore(%arg12 : memref<!tpu.dma_semaphore, #tpu.memory_space<semaphore_mem>>) src(%dma_wait3A_400 : memref<209x512xf32, #tpu.memory_space<hbm>>) dst(%dma_wait3A_395 : memref<8x512xf32, #tpu.memory_space<vmem>>)
      %dma_wait3A_401 = arith.constant 16 : i32
      %dma_wait3A_402 = arith.constant 0 : i32
      %dma_wait3A_403 = tpu.memref_slice %arg8[%dma_wait3A_401, %dma_wait3A_402] : memref<48x512xf32, #tpu.memory_space<vmem>> -> memref<8x512xf32, #tpu.memory_space<vmem>>
      %dma_wait3A_404 = arith.constant 2048 : i32
      %dma_wait3A_405 = tpu.memref_slice %arg5[%dma_wait3A_404] : memref<6144xi32, #tpu.memory_space<vmem>> -> memref<8xi32, #tpu.memory_space<vmem>>
      %dma_wait3A_406 = arith.constant 0 : i32
      %dma_wait3A_407 = arith.constant 0 : i32
      %dma_wait3A_408 = tpu.memref_slice %arg2[%dma_wait3A_406, %dma_wait3A_407] : memref<209x512xf32, #tpu.memory_space<hbm>> -> memref<209x512xf32, #tpu.memory_space<hbm>>
      tpu.wait_indirect_dma semaphore(%arg12 : memref<!tpu.dma_semaphore, #tpu.memory_space<semaphore_mem>>) src(%dma_wait3A_408 : memref<209x512xf32, #tpu.memory_space<hbm>>) dst(%dma_wait3A_403 : memref<8x512xf32, #tpu.memory_space<vmem>>)
      %dma_wait3A_409 = arith.constant 24 : i32
      %dma_wait3A_410 = arith.constant 0 : i32
      %dma_wait3A_411 = tpu.memref_slice %arg8[%dma_wait3A_409, %dma_wait3A_410] : memref<48x512xf32, #tpu.memory_space<vmem>> -> memref<8x512xf32, #tpu.memory_space<vmem>>
      %dma_wait3A_412 = arith.constant 3072 : i32
      %dma_wait3A_413 = tpu.memref_slice %arg5[%dma_wait3A_412] : memref<6144xi32, #tpu.memory_space<vmem>> -> memref<8xi32, #tpu.memory_space<vmem>>
      %dma_wait3A_414 = arith.constant 0 : i32
      %dma_wait3A_415 = arith.constant 0 : i32
      %dma_wait3A_416 = tpu.memref_slice %arg2[%dma_wait3A_414, %dma_wait3A_415] : memref<209x512xf32, #tpu.memory_space<hbm>> -> memref<209x512xf32, #tpu.memory_space<hbm>>
      tpu.wait_indirect_dma semaphore(%arg12 : memref<!tpu.dma_semaphore, #tpu.memory_space<semaphore_mem>>) src(%dma_wait3A_416 : memref<209x512xf32, #tpu.memory_space<hbm>>) dst(%dma_wait3A_411 : memref<8x512xf32, #tpu.memory_space<vmem>>)
      %dma_wait3A_417 = arith.constant 32 : i32
      %dma_wait3A_418 = arith.constant 0 : i32
      %dma_wait3A_419 = tpu.memref_slice %arg8[%dma_wait3A_417, %dma_wait3A_418] : memref<48x512xf32, #tpu.memory_space<vmem>> -> memref<8x512xf32, #tpu.memory_space<vmem>>
      %dma_wait3A_420 = arith.constant 4096 : i32
      %dma_wait3A_421 = tpu.memref_slice %arg5[%dma_wait3A_420] : memref<6144xi32, #tpu.memory_space<vmem>> -> memref<8xi32, #tpu.memory_space<vmem>>
      %dma_wait3A_422 = arith.constant 0 : i32
      %dma_wait3A_423 = arith.constant 0 : i32
      %dma_wait3A_424 = tpu.memref_slice %arg2[%dma_wait3A_422, %dma_wait3A_423] : memref<209x512xf32, #tpu.memory_space<hbm>> -> memref<209x512xf32, #tpu.memory_space<hbm>>
      tpu.wait_indirect_dma semaphore(%arg12 : memref<!tpu.dma_semaphore, #tpu.memory_space<semaphore_mem>>) src(%dma_wait3A_424 : memref<209x512xf32, #tpu.memory_space<hbm>>) dst(%dma_wait3A_419 : memref<8x512xf32, #tpu.memory_space<vmem>>)
      %dma_wait3A_425 = arith.constant 40 : i32
      %dma_wait3A_426 = arith.constant 0 : i32
      %dma_wait3A_427 = tpu.memref_slice %arg8[%dma_wait3A_425, %dma_wait3A_426] : memref<48x512xf32, #tpu.memory_space<vmem>> -> memref<8x512xf32, #tpu.memory_space<vmem>>
      %dma_wait3A_428 = arith.constant 5120 : i32
      %dma_wait3A_429 = tpu.memref_slice %arg5[%dma_wait3A_428] : memref<6144xi32, #tpu.memory_space<vmem>> -> memref<8xi32, #tpu.memory_space<vmem>>
      %dma_wait3A_430 = arith.constant 0 : i32
      %dma_wait3A_431 = arith.constant 0 : i32
      %dma_wait3A_432 = tpu.memref_slice %arg2[%dma_wait3A_430, %dma_wait3A_431] : memref<209x512xf32, #tpu.memory_space<hbm>> -> memref<209x512xf32, #tpu.memory_space<hbm>>
      tpu.wait_indirect_dma semaphore(%arg12 : memref<!tpu.dma_semaphore, #tpu.memory_space<semaphore_mem>>) src(%dma_wait3A_432 : memref<209x512xf32, #tpu.memory_space<hbm>>) dst(%dma_wait3A_427 : memref<8x512xf32, #tpu.memory_space<vmem>>)
      %add3A_433 = arith.addi %mul3A_2, %add3A_384 : i32
      %dma_start3A_434 = arith.constant 0 : i32
      %dma_start3A_435 = arith.constant 0 : i32
      %dma_start3A_436 = tpu.memref_slice %arg4[%add3A_433, %dma_start3A_434, %dma_start3A_435] : memref<4096x50x512xf32, #tpu.memory_space<hbm>> -> memref<1x48x512xf32, #tpu.memory_space<hbm>>
      %dma_start3A_437 = tpu.memref_squeeze %dma_start3A_436 : memref<1x48x512xf32, #tpu.memory_space<hbm>> -> memref<48x512xf32, #tpu.memory_space<hbm>>
      %dma_start3A_438 = arith.constant 0 : i32
      %dma_start3A_439 = arith.constant 0 : i32
      %dma_start3A_440 = tpu.memref_slice %arg4[%add3A_433, %dma_start3A_438, %dma_start3A_439] : memref<4096x50x512xf32, #tpu.memory_space<hbm>> -> memref<1x48x512xf32, #tpu.memory_space<hbm>>
      %dma_start3A_441 = tpu.memref_squeeze %dma_start3A_440 : memref<1x48x512xf32, #tpu.memory_space<hbm>> -> memref<48x512xf32, #tpu.memory_space<hbm>>
      tpu.enqueue_dma source(%arg8 : memref<48x512xf32, #tpu.memory_space<vmem>>) target(%dma_start3A_441 : memref<48x512xf32, #tpu.memory_space<hbm>>) target_semaphore(%arg16 : memref<!tpu.dma_semaphore, #tpu.memory_space<semaphore_mem>>)
      %add3A_442 = arith.constant 4 : i32
      %add3A_443 = arith.addi %add3A_384, %add3A_442 : i32
      %sub3A_444 = arith.constant 1 : i32
      %sub3A_445 = arith.subi %add3A_443, %sub3A_444 : i32
      %lt3A_446 = arith.constant 128 : i32
      %lt3A_447 = arith.cmpi slt, %sub3A_445, %lt3A_446 : i32
      %convert_element_type3A_448 = arith.extui %lt3A_447 : i1 to i32
      %cond3A_449 = arith.constant 0 : i32
      %cond3A_450 = arith.cmpi ne, %convert_element_type3A_448, %cond3A_449 : i32
      scf.if %cond3A_450 {
        %sub3A_521 = arith.constant 1 : i32
        %sub3A_522 = arith.subi %add3A_384, %sub3A_521 : i32
        %ge3A = arith.constant 0 : i32
        %ge3A_523 = arith.cmpi sge, %sub3A_522, %ge3A : i32
        %convert_element_type3A_524 = arith.extui %ge3A_523 : i1 to i32
        %cond3A_525 = arith.constant 0 : i32
        %cond3A_526 = arith.cmpi ne, %convert_element_type3A_524, %cond3A_525 : i32
        scf.if %cond3A_526 {
          %dma_wait3A_597 = arith.constant 0 : i32
          %dma_wait3A_598 = arith.constant 0 : i32
          %dma_wait3A_599 = tpu.memref_slice %arg4[%mul3A_2, %dma_wait3A_597, %dma_wait3A_598] : memref<4096x50x512xf32, #tpu.memory_space<hbm>> -> memref<1x48x512xf32, #tpu.memory_space<hbm>>
          %dma_wait3A_600 = tpu.memref_squeeze %dma_wait3A_599 : memref<1x48x512xf32, #tpu.memory_space<hbm>> -> memref<48x512xf32, #tpu.memory_space<hbm>>
          %dma_wait3A_601 = arith.constant 0 : i32
          %dma_wait3A_602 = arith.constant 0 : i32
          %dma_wait3A_603 = tpu.memref_slice %arg4[%mul3A_2, %dma_wait3A_601, %dma_wait3A_602] : memref<4096x50x512xf32, #tpu.memory_space<hbm>> -> memref<1x48x512xf32, #tpu.memory_space<hbm>>
          %dma_wait3A_604 = tpu.memref_squeeze %dma_wait3A_603 : memref<1x48x512xf32, #tpu.memory_space<hbm>> -> memref<48x512xf32, #tpu.memory_space<hbm>>
          tpu.wait_dma2 semaphore(%arg15 : memref<!tpu.dma_semaphore, #tpu.memory_space<semaphore_mem>>) src(%arg7 : memref<48x512xf32, #tpu.memory_space<vmem>>) dst(%dma_wait3A_604 : memref<48x512xf32, #tpu.memory_space<hbm>>)
        } else {
        }
        %add3A_527 = arith.constant 4 : i32
        %add3A_528 = arith.addi %add3A_384, %add3A_527 : i32
        %sub3A_529 = arith.constant 1 : i32
        %sub3A_530 = arith.subi %add3A_528, %sub3A_529 : i32
        %mul3A_531 = arith.constant 8 : i32
        %mul3A_532 = arith.muli %sub3A_530, %mul3A_531 : i32
        %add3A_533 = arith.constant 0 : i32
        %add3A_534 = arith.addi %add3A_533, %mul3A_532 : i32
        %dma_start3A_535 = arith.constant 0 : i32
        %dma_start3A_536 = arith.constant 0 : i32
        %dma_start3A_537 = tpu.memref_slice %arg7[%dma_start3A_535, %dma_start3A_536] : memref<48x512xf32, #tpu.memory_space<vmem>> -> memref<8x512xf32, #tpu.memory_space<vmem>>
        %dma_start3A_538 = tpu.memref_slice %arg5[%add3A_534] : memref<6144xi32, #tpu.memory_space<vmem>> -> memref<8xi32, #tpu.memory_space<vmem>>
        %dma_start3A_539 = arith.constant 0 : i32
        %dma_start3A_540 = arith.constant 0 : i32
        %dma_start3A_541 = tpu.memref_slice %arg2[%dma_start3A_539, %dma_start3A_540] : memref<209x512xf32, #tpu.memory_space<hbm>> -> memref<209x512xf32, #tpu.memory_space<hbm>>
        tpu.enqueue_indirect_dma source(%dma_start3A_541 : memref<209x512xf32, #tpu.memory_space<hbm>>) target(%dma_start3A_537 : memref<8x512xf32, #tpu.memory_space<vmem>>) offsets(%dma_start3A_538 : memref<8xi32, #tpu.memory_space<vmem>>) semaphore(%arg11 : memref<!tpu.dma_semaphore, #tpu.memory_space<semaphore_mem>>)
        %mul3A_542 = arith.constant 8 : i32
        %mul3A_543 = arith.muli %sub3A_530, %mul3A_542 : i32
        %add3A_544 = arith.constant 1024 : i32
        %add3A_545 = arith.addi %add3A_544, %mul3A_543 : i32
        %dma_start3A_546 = arith.constant 8 : i32
        %dma_start3A_547 = arith.constant 0 : i32
        %dma_start3A_548 = tpu.memref_slice %arg7[%dma_start3A_546, %dma_start3A_547] : memref<48x512xf32, #tpu.memory_space<vmem>> -> memref<8x512xf32, #tpu.memory_space<vmem>>
        %dma_start3A_549 = tpu.memref_slice %arg5[%add3A_545] : memref<6144xi32, #tpu.memory_space<vmem>> -> memref<8xi32, #tpu.memory_space<vmem>>
        %dma_start3A_550 = arith.constant 0 : i32
        %dma_start3A_551 = arith.constant 0 : i32
        %dma_start3A_552 = tpu.memref_slice %arg2[%dma_start3A_550, %dma_start3A_551] : memref<209x512xf32, #tpu.memory_space<hbm>> -> memref<209x512xf32, #tpu.memory_space<hbm>>
        tpu.enqueue_indirect_dma source(%dma_start3A_552 : memref<209x512xf32, #tpu.memory_space<hbm>>) target(%dma_start3A_548 : memref<8x512xf32, #tpu.memory_space<vmem>>) offsets(%dma_start3A_549 : memref<8xi32, #tpu.memory_space<vmem>>) semaphore(%arg11 : memref<!tpu.dma_semaphore, #tpu.memory_space<semaphore_mem>>)
        %mul3A_553 = arith.constant 8 : i32
        %mul3A_554 = arith.muli %sub3A_530, %mul3A_553 : i32
        %add3A_555 = arith.constant 2048 : i32
        %add3A_556 = arith.addi %add3A_555, %mul3A_554 : i32
        %dma_start3A_557 = arith.constant 16 : i32
        %dma_start3A_558 = arith.constant 0 : i32
        %dma_start3A_559 = tpu.memref_slice %arg7[%dma_start3A_557, %dma_start3A_558] : memref<48x512xf32, #tpu.memory_space<vmem>> -> memref<8x512xf32, #tpu.memory_space<vmem>>
        %dma_start3A_560 = tpu.memref_slice %arg5[%add3A_556] : memref<6144xi32, #tpu.memory_space<vmem>> -> memref<8xi32, #tpu.memory_space<vmem>>
        %dma_start3A_561 = arith.constant 0 : i32
        %dma_start3A_562 = arith.constant 0 : i32
        %dma_start3A_563 = tpu.memref_slice %arg2[%dma_start3A_561, %dma_start3A_562] : memref<209x512xf32, #tpu.memory_space<hbm>> -> memref<209x512xf32, #tpu.memory_space<hbm>>
        tpu.enqueue_indirect_dma source(%dma_start3A_563 : memref<209x512xf32, #tpu.memory_space<hbm>>) target(%dma_start3A_559 : memref<8x512xf32, #tpu.memory_space<vmem>>) offsets(%dma_start3A_560 : memref<8xi32, #tpu.memory_space<vmem>>) semaphore(%arg11 : memref<!tpu.dma_semaphore, #tpu.memory_space<semaphore_mem>>)
        %mul3A_564 = arith.constant 8 : i32
        %mul3A_565 = arith.muli %sub3A_530, %mul3A_564 : i32
        %add3A_566 = arith.constant 3072 : i32
        %add3A_567 = arith.addi %add3A_566, %mul3A_565 : i32
        %dma_start3A_568 = arith.constant 24 : i32
        %dma_start3A_569 = arith.constant 0 : i32
        %dma_start3A_570 = tpu.memref_slice %arg7[%dma_start3A_568, %dma_start3A_569] : memref<48x512xf32, #tpu.memory_space<vmem>> -> memref<8x512xf32, #tpu.memory_space<vmem>>
        %dma_start3A_571 = tpu.memref_slice %arg5[%add3A_567] : memref<6144xi32, #tpu.memory_space<vmem>> -> memref<8xi32, #tpu.memory_space<vmem>>
        %dma_start3A_572 = arith.constant 0 : i32
        %dma_start3A_573 = arith.constant 0 : i32
        %dma_start3A_574 = tpu.memref_slice %arg2[%dma_start3A_572, %dma_start3A_573] : memref<209x512xf32, #tpu.memory_space<hbm>> -> memref<209x512xf32, #tpu.memory_space<hbm>>
        tpu.enqueue_indirect_dma source(%dma_start3A_574 : memref<209x512xf32, #tpu.memory_space<hbm>>) target(%dma_start3A_570 : memref<8x512xf32, #tpu.memory_space<vmem>>) offsets(%dma_start3A_571 : memref<8xi32, #tpu.memory_space<vmem>>) semaphore(%arg11 : memref<!tpu.dma_semaphore, #tpu.memory_space<semaphore_mem>>)
        %mul3A_575 = arith.constant 8 : i32
        %mul3A_576 = arith.muli %sub3A_530, %mul3A_575 : i32
        %add3A_577 = arith.constant 4096 : i32
        %add3A_578 = arith.addi %add3A_577, %mul3A_576 : i32
        %dma_start3A_579 = arith.constant 32 : i32
        %dma_start3A_580 = arith.constant 0 : i32
        %dma_start3A_581 = tpu.memref_slice %arg7[%dma_start3A_579, %dma_start3A_580] : memref<48x512xf32, #tpu.memory_space<vmem>> -> memref<8x512xf32, #tpu.memory_space<vmem>>
        %dma_start3A_582 = tpu.memref_slice %arg5[%add3A_578] : memref<6144xi32, #tpu.memory_space<vmem>> -> memref<8xi32, #tpu.memory_space<vmem>>
        %dma_start3A_583 = arith.constant 0 : i32
        %dma_start3A_584 = arith.constant 0 : i32
        %dma_start3A_585 = tpu.memref_slice %arg2[%dma_start3A_583, %dma_start3A_584] : memref<209x512xf32, #tpu.memory_space<hbm>> -> memref<209x512xf32, #tpu.memory_space<hbm>>
        tpu.enqueue_indirect_dma source(%dma_start3A_585 : memref<209x512xf32, #tpu.memory_space<hbm>>) target(%dma_start3A_581 : memref<8x512xf32, #tpu.memory_space<vmem>>) offsets(%dma_start3A_582 : memref<8xi32, #tpu.memory_space<vmem>>) semaphore(%arg11 : memref<!tpu.dma_semaphore, #tpu.memory_space<semaphore_mem>>)
        %mul3A_586 = arith.constant 8 : i32
        %mul3A_587 = arith.muli %sub3A_530, %mul3A_586 : i32
        %add3A_588 = arith.constant 5120 : i32
        %add3A_589 = arith.addi %add3A_588, %mul3A_587 : i32
        %dma_start3A_590 = arith.constant 40 : i32
        %dma_start3A_591 = arith.constant 0 : i32
        %dma_start3A_592 = tpu.memref_slice %arg7[%dma_start3A_590, %dma_start3A_591] : memref<48x512xf32, #tpu.memory_space<vmem>> -> memref<8x512xf32, #tpu.memory_space<vmem>>
        %dma_start3A_593 = tpu.memref_slice %arg5[%add3A_589] : memref<6144xi32, #tpu.memory_space<vmem>> -> memref<8xi32, #tpu.memory_space<vmem>>
        %dma_start3A_594 = arith.constant 0 : i32
        %dma_start3A_595 = arith.constant 0 : i32
        %dma_start3A_596 = tpu.memref_slice %arg2[%dma_start3A_594, %dma_start3A_595] : memref<209x512xf32, #tpu.memory_space<hbm>> -> memref<209x512xf32, #tpu.memory_space<hbm>>
        tpu.enqueue_indirect_dma source(%dma_start3A_596 : memref<209x512xf32, #tpu.memory_space<hbm>>) target(%dma_start3A_592 : memref<8x512xf32, #tpu.memory_space<vmem>>) offsets(%dma_start3A_593 : memref<8xi32, #tpu.memory_space<vmem>>) semaphore(%arg11 : memref<!tpu.dma_semaphore, #tpu.memory_space<semaphore_mem>>)
      } else {
      }
      %mul3A_451 = arith.constant 4 : i32
      %mul3A_452 = arith.muli %mul3A_451, %scan3A_242 : i32
      %add3A_453 = arith.constant 3 : i32
      %add3A_454 = arith.addi %mul3A_452, %add3A_453 : i32
      %dma_wait3A_455 = arith.constant 0 : i32
      %dma_wait3A_456 = arith.constant 0 : i32
      %dma_wait3A_457 = tpu.memref_slice %arg9[%dma_wait3A_455, %dma_wait3A_456] : memref<48x512xf32, #tpu.memory_space<vmem>> -> memref<8x512xf32, #tpu.memory_space<vmem>>
      %dma_wait3A_458 = arith.constant 0 : i32
      %dma_wait3A_459 = tpu.memref_slice %arg5[%dma_wait3A_458] : memref<6144xi32, #tpu.memory_space<vmem>> -> memref<8xi32, #tpu.memory_space<vmem>>
      %dma_wait3A_460 = arith.constant 0 : i32
      %dma_wait3A_461 = arith.constant 0 : i32
      %dma_wait3A_462 = tpu.memref_slice %arg2[%dma_wait3A_460, %dma_wait3A_461] : memref<209x512xf32, #tpu.memory_space<hbm>> -> memref<209x512xf32, #tpu.memory_space<hbm>>
      tpu.wait_indirect_dma semaphore(%arg13 : memref<!tpu.dma_semaphore, #tpu.memory_space<semaphore_mem>>) src(%dma_wait3A_462 : memref<209x512xf32, #tpu.memory_space<hbm>>) dst(%dma_wait3A_457 : memref<8x512xf32, #tpu.memory_space<vmem>>)
      %dma_wait3A_463 = arith.constant 8 : i32
      %dma_wait3A_464 = arith.constant 0 : i32
      %dma_wait3A_465 = tpu.memref_slice %arg9[%dma_wait3A_463, %dma_wait3A_464] : memref<48x512xf32, #tpu.memory_space<vmem>> -> memref<8x512xf32, #tpu.memory_space<vmem>>
      %dma_wait3A_466 = arith.constant 1024 : i32
      %dma_wait3A_467 = tpu.memref_slice %arg5[%dma_wait3A_466] : memref<6144xi32, #tpu.memory_space<vmem>> -> memref<8xi32, #tpu.memory_space<vmem>>
      %dma_wait3A_468 = arith.constant 0 : i32
      %dma_wait3A_469 = arith.constant 0 : i32
      %dma_wait3A_470 = tpu.memref_slice %arg2[%dma_wait3A_468, %dma_wait3A_469] : memref<209x512xf32, #tpu.memory_space<hbm>> -> memref<209x512xf32, #tpu.memory_space<hbm>>
      tpu.wait_indirect_dma semaphore(%arg13 : memref<!tpu.dma_semaphore, #tpu.memory_space<semaphore_mem>>) src(%dma_wait3A_470 : memref<209x512xf32, #tpu.memory_space<hbm>>) dst(%dma_wait3A_465 : memref<8x512xf32, #tpu.memory_space<vmem>>)
      %dma_wait3A_471 = arith.constant 16 : i32
      %dma_wait3A_472 = arith.constant 0 : i32
      %dma_wait3A_473 = tpu.memref_slice %arg9[%dma_wait3A_471, %dma_wait3A_472] : memref<48x512xf32, #tpu.memory_space<vmem>> -> memref<8x512xf32, #tpu.memory_space<vmem>>
      %dma_wait3A_474 = arith.constant 2048 : i32
      %dma_wait3A_475 = tpu.memref_slice %arg5[%dma_wait3A_474] : memref<6144xi32, #tpu.memory_space<vmem>> -> memref<8xi32, #tpu.memory_space<vmem>>
      %dma_wait3A_476 = arith.constant 0 : i32
      %dma_wait3A_477 = arith.constant 0 : i32
      %dma_wait3A_478 = tpu.memref_slice %arg2[%dma_wait3A_476, %dma_wait3A_477] : memref<209x512xf32, #tpu.memory_space<hbm>> -> memref<209x512xf32, #tpu.memory_space<hbm>>
      tpu.wait_indirect_dma semaphore(%arg13 : memref<!tpu.dma_semaphore, #tpu.memory_space<semaphore_mem>>) src(%dma_wait3A_478 : memref<209x512xf32, #tpu.memory_space<hbm>>) dst(%dma_wait3A_473 : memref<8x512xf32, #tpu.memory_space<vmem>>)
      %dma_wait3A_479 = arith.constant 24 : i32
      %dma_wait3A_480 = arith.constant 0 : i32
      %dma_wait3A_481 = tpu.memref_slice %arg9[%dma_wait3A_479, %dma_wait3A_480] : memref<48x512xf32, #tpu.memory_space<vmem>> -> memref<8x512xf32, #tpu.memory_space<vmem>>
      %dma_wait3A_482 = arith.constant 3072 : i32
      %dma_wait3A_483 = tpu.memref_slice %arg5[%dma_wait3A_482] : memref<6144xi32, #tpu.memory_space<vmem>> -> memref<8xi32, #tpu.memory_space<vmem>>
      %dma_wait3A_484 = arith.constant 0 : i32
      %dma_wait3A_485 = arith.constant 0 : i32
      %dma_wait3A_486 = tpu.memref_slice %arg2[%dma_wait3A_484, %dma_wait3A_485] : memref<209x512xf32, #tpu.memory_space<hbm>> -> memref<209x512xf32, #tpu.memory_space<hbm>>
      tpu.wait_indirect_dma semaphore(%arg13 : memref<!tpu.dma_semaphore, #tpu.memory_space<semaphore_mem>>) src(%dma_wait3A_486 : memref<209x512xf32, #tpu.memory_space<hbm>>) dst(%dma_wait3A_481 : memref<8x512xf32, #tpu.memory_space<vmem>>)
      %dma_wait3A_487 = arith.constant 32 : i32
      %dma_wait3A_488 = arith.constant 0 : i32
      %dma_wait3A_489 = tpu.memref_slice %arg9[%dma_wait3A_487, %dma_wait3A_488] : memref<48x512xf32, #tpu.memory_space<vmem>> -> memref<8x512xf32, #tpu.memory_space<vmem>>
      %dma_wait3A_490 = arith.constant 4096 : i32
      %dma_wait3A_491 = tpu.memref_slice %arg5[%dma_wait3A_490] : memref<6144xi32, #tpu.memory_space<vmem>> -> memref<8xi32, #tpu.memory_space<vmem>>
      %dma_wait3A_492 = arith.constant 0 : i32
      %dma_wait3A_493 = arith.constant 0 : i32
      %dma_wait3A_494 = tpu.memref_slice %arg2[%dma_wait3A_492, %dma_wait3A_493] : memref<209x512xf32, #tpu.memory_space<hbm>> -> memref<209x512xf32, #tpu.memory_space<hbm>>
      tpu.wait_indirect_dma semaphore(%arg13 : memref<!tpu.dma_semaphore, #tpu.memory_space<semaphore_mem>>) src(%dma_wait3A_494 : memref<209x512xf32, #tpu.memory_space<hbm>>) dst(%dma_wait3A_489 : memref<8x512xf32, #tpu.memory_space<vmem>>)
      %dma_wait3A_495 = arith.constant 40 : i32
      %dma_wait3A_496 = arith.constant 0 : i32
      %dma_wait3A_497 = tpu.memref_slice %arg9[%dma_wait3A_495, %dma_wait3A_496] : memref<48x512xf32, #tpu.memory_space<vmem>> -> memref<8x512xf32, #tpu.memory_space<vmem>>
      %dma_wait3A_498 = arith.constant 5120 : i32
      %dma_wait3A_499 = tpu.memref_slice %arg5[%dma_wait3A_498] : memref<6144xi32, #tpu.memory_space<vmem>> -> memref<8xi32, #tpu.memory_space<vmem>>
      %dma_wait3A_500 = arith.constant 0 : i32
      %dma_wait3A_501 = arith.constant 0 : i32
      %dma_wait3A_502 = tpu.memref_slice %arg2[%dma_wait3A_500, %dma_wait3A_501] : memref<209x512xf32, #tpu.memory_space<hbm>> -> memref<209x512xf32, #tpu.memory_space<hbm>>
      tpu.wait_indirect_dma semaphore(%arg13 : memref<!tpu.dma_semaphore, #tpu.memory_space<semaphore_mem>>) src(%dma_wait3A_502 : memref<209x512xf32, #tpu.memory_space<hbm>>) dst(%dma_wait3A_497 : memref<8x512xf32, #tpu.memory_space<vmem>>)
      %add3A_503 = arith.addi %mul3A_2, %add3A_454 : i32
      %dma_start3A_504 = arith.constant 0 : i32
      %dma_start3A_505 = arith.constant 0 : i32
      %dma_start3A_506 = tpu.memref_slice %arg4[%add3A_503, %dma_start3A_504, %dma_start3A_505] : memref<4096x50x512xf32, #tpu.memory_space<hbm>> -> memref<1x48x512xf32, #tpu.memory_space<hbm>>
      %dma_start3A_507 = tpu.memref_squeeze %dma_start3A_506 : memref<1x48x512xf32, #tpu.memory_space<hbm>> -> memref<48x512xf32, #tpu.memory_space<hbm>>
      %dma_start3A_508 = arith.constant 0 : i32
      %dma_start3A_509 = arith.constant 0 : i32
      %dma_start3A_510 = tpu.memref_slice %arg4[%add3A_503, %dma_start3A_508, %dma_start3A_509] : memref<4096x50x512xf32, #tpu.memory_space<hbm>> -> memref<1x48x512xf32, #tpu.memory_space<hbm>>
      %dma_start3A_511 = tpu.memref_squeeze %dma_start3A_510 : memref<1x48x512xf32, #tpu.memory_space<hbm>> -> memref<48x512xf32, #tpu.memory_space<hbm>>
      tpu.enqueue_dma source(%arg9 : memref<48x512xf32, #tpu.memory_space<vmem>>) target(%dma_start3A_511 : memref<48x512xf32, #tpu.memory_space<hbm>>) target_semaphore(%arg17 : memref<!tpu.dma_semaphore, #tpu.memory_space<semaphore_mem>>)
      %add3A_512 = arith.constant 4 : i32
      %add3A_513 = arith.addi %add3A_454, %add3A_512 : i32
      %sub3A_514 = arith.constant 1 : i32
      %sub3A_515 = arith.subi %add3A_513, %sub3A_514 : i32
      %lt3A_516 = arith.constant 128 : i32
      %lt3A_517 = arith.cmpi slt, %sub3A_515, %lt3A_516 : i32
      %convert_element_type3A_518 = arith.extui %lt3A_517 : i1 to i32
      %cond3A_519 = arith.constant 0 : i32
      %cond3A_520 = arith.cmpi ne, %convert_element_type3A_518, %cond3A_519 : i32
      scf.if %cond3A_520 {
        %sub3A_521 = arith.constant 1 : i32
        %sub3A_522 = arith.subi %add3A_454, %sub3A_521 : i32
        %ge3A = arith.constant 0 : i32
        %ge3A_523 = arith.cmpi sge, %sub3A_522, %ge3A : i32
        %convert_element_type3A_524 = arith.extui %ge3A_523 : i1 to i32
        %cond3A_525 = arith.constant 0 : i32
        %cond3A_526 = arith.cmpi ne, %convert_element_type3A_524, %cond3A_525 : i32
        scf.if %cond3A_526 {
          %dma_wait3A_597 = arith.constant 0 : i32
          %dma_wait3A_598 = arith.constant 0 : i32
          %dma_wait3A_599 = tpu.memref_slice %arg4[%mul3A_2, %dma_wait3A_597, %dma_wait3A_598] : memref<4096x50x512xf32, #tpu.memory_space<hbm>> -> memref<1x48x512xf32, #tpu.memory_space<hbm>>
          %dma_wait3A_600 = tpu.memref_squeeze %dma_wait3A_599 : memref<1x48x512xf32, #tpu.memory_space<hbm>> -> memref<48x512xf32, #tpu.memory_space<hbm>>
          %dma_wait3A_601 = arith.constant 0 : i32
          %dma_wait3A_602 = arith.constant 0 : i32
          %dma_wait3A_603 = tpu.memref_slice %arg4[%mul3A_2, %dma_wait3A_601, %dma_wait3A_602] : memref<4096x50x512xf32, #tpu.memory_space<hbm>> -> memref<1x48x512xf32, #tpu.memory_space<hbm>>
          %dma_wait3A_604 = tpu.memref_squeeze %dma_wait3A_603 : memref<1x48x512xf32, #tpu.memory_space<hbm>> -> memref<48x512xf32, #tpu.memory_space<hbm>>
          tpu.wait_dma2 semaphore(%arg16 : memref<!tpu.dma_semaphore, #tpu.memory_space<semaphore_mem>>) src(%arg8 : memref<48x512xf32, #tpu.memory_space<vmem>>) dst(%dma_wait3A_604 : memref<48x512xf32, #tpu.memory_space<hbm>>)
        } else {
        }
        %add3A_527 = arith.constant 4 : i32
        %add3A_528 = arith.addi %add3A_454, %add3A_527 : i32
        %sub3A_529 = arith.constant 1 : i32
        %sub3A_530 = arith.subi %add3A_528, %sub3A_529 : i32
        %mul3A_531 = arith.constant 8 : i32
        %mul3A_532 = arith.muli %sub3A_530, %mul3A_531 : i32
        %add3A_533 = arith.constant 0 : i32
        %add3A_534 = arith.addi %add3A_533, %mul3A_532 : i32
        %dma_start3A_535 = arith.constant 0 : i32
        %dma_start3A_536 = arith.constant 0 : i32
        %dma_start3A_537 = tpu.memref_slice %arg8[%dma_start3A_535, %dma_start3A_536] : memref<48x512xf32, #tpu.memory_space<vmem>> -> memref<8x512xf32, #tpu.memory_space<vmem>>
        %dma_start3A_538 = tpu.memref_slice %arg5[%add3A_534] : memref<6144xi32, #tpu.memory_space<vmem>> -> memref<8xi32, #tpu.memory_space<vmem>>
        %dma_start3A_539 = arith.constant 0 : i32
        %dma_start3A_540 = arith.constant 0 : i32
        %dma_start3A_541 = tpu.memref_slice %arg2[%dma_start3A_539, %dma_start3A_540] : memref<209x512xf32, #tpu.memory_space<hbm>> -> memref<209x512xf32, #tpu.memory_space<hbm>>
        tpu.enqueue_indirect_dma source(%dma_start3A_541 : memref<209x512xf32, #tpu.memory_space<hbm>>) target(%dma_start3A_537 : memref<8x512xf32, #tpu.memory_space<vmem>>) offsets(%dma_start3A_538 : memref<8xi32, #tpu.memory_space<vmem>>) semaphore(%arg12 : memref<!tpu.dma_semaphore, #tpu.memory_space<semaphore_mem>>)
        %mul3A_542 = arith.constant 8 : i32
        %mul3A_543 = arith.muli %sub3A_530, %mul3A_542 : i32
        %add3A_544 = arith.constant 1024 : i32
        %add3A_545 = arith.addi %add3A_544, %mul3A_543 : i32
        %dma_start3A_546 = arith.constant 8 : i32
        %dma_start3A_547 = arith.constant 0 : i32
        %dma_start3A_548 = tpu.memref_slice %arg8[%dma_start3A_546, %dma_start3A_547] : memref<48x512xf32, #tpu.memory_space<vmem>> -> memref<8x512xf32, #tpu.memory_space<vmem>>
        %dma_start3A_549 = tpu.memref_slice %arg5[%add3A_545] : memref<6144xi32, #tpu.memory_space<vmem>> -> memref<8xi32, #tpu.memory_space<vmem>>
        %dma_start3A_550 = arith.constant 0 : i32
        %dma_start3A_551 = arith.constant 0 : i32
        %dma_start3A_552 = tpu.memref_slice %arg2[%dma_start3A_550, %dma_start3A_551] : memref<209x512xf32, #tpu.memory_space<hbm>> -> memref<209x512xf32, #tpu.memory_space<hbm>>
        tpu.enqueue_indirect_dma source(%dma_start3A_552 : memref<209x512xf32, #tpu.memory_space<hbm>>) target(%dma_start3A_548 : memref<8x512xf32, #tpu.memory_space<vmem>>) offsets(%dma_start3A_549 : memref<8xi32, #tpu.memory_space<vmem>>) semaphore(%arg12 : memref<!tpu.dma_semaphore, #tpu.memory_space<semaphore_mem>>)
        %mul3A_553 = arith.constant 8 : i32
        %mul3A_554 = arith.muli %sub3A_530, %mul3A_553 : i32
        %add3A_555 = arith.constant 2048 : i32
        %add3A_556 = arith.addi %add3A_555, %mul3A_554 : i32
        %dma_start3A_557 = arith.constant 16 : i32
        %dma_start3A_558 = arith.constant 0 : i32
        %dma_start3A_559 = tpu.memref_slice %arg8[%dma_start3A_557, %dma_start3A_558] : memref<48x512xf32, #tpu.memory_space<vmem>> -> memref<8x512xf32, #tpu.memory_space<vmem>>
        %dma_start3A_560 = tpu.memref_slice %arg5[%add3A_556] : memref<6144xi32, #tpu.memory_space<vmem>> -> memref<8xi32, #tpu.memory_space<vmem>>
        %dma_start3A_561 = arith.constant 0 : i32
        %dma_start3A_562 = arith.constant 0 : i32
        %dma_start3A_563 = tpu.memref_slice %arg2[%dma_start3A_561, %dma_start3A_562] : memref<209x512xf32, #tpu.memory_space<hbm>> -> memref<209x512xf32, #tpu.memory_space<hbm>>
        tpu.enqueue_indirect_dma source(%dma_start3A_563 : memref<209x512xf32, #tpu.memory_space<hbm>>) target(%dma_start3A_559 : memref<8x512xf32, #tpu.memory_space<vmem>>) offsets(%dma_start3A_560 : memref<8xi32, #tpu.memory_space<vmem>>) semaphore(%arg12 : memref<!tpu.dma_semaphore, #tpu.memory_space<semaphore_mem>>)
        %mul3A_564 = arith.constant 8 : i32
        %mul3A_565 = arith.muli %sub3A_530, %mul3A_564 : i32
        %add3A_566 = arith.constant 3072 : i32
        %add3A_567 = arith.addi %add3A_566, %mul3A_565 : i32
        %dma_start3A_568 = arith.constant 24 : i32
        %dma_start3A_569 = arith.constant 0 : i32
        %dma_start3A_570 = tpu.memref_slice %arg8[%dma_start3A_568, %dma_start3A_569] : memref<48x512xf32, #tpu.memory_space<vmem>> -> memref<8x512xf32, #tpu.memory_space<vmem>>
        %dma_start3A_571 = tpu.memref_slice %arg5[%add3A_567] : memref<6144xi32, #tpu.memory_space<vmem>> -> memref<8xi32, #tpu.memory_space<vmem>>
        %dma_start3A_572 = arith.constant 0 : i32
        %dma_start3A_573 = arith.constant 0 : i32
        %dma_start3A_574 = tpu.memref_slice %arg2[%dma_start3A_572, %dma_start3A_573] : memref<209x512xf32, #tpu.memory_space<hbm>> -> memref<209x512xf32, #tpu.memory_space<hbm>>
        tpu.enqueue_indirect_dma source(%dma_start3A_574 : memref<209x512xf32, #tpu.memory_space<hbm>>) target(%dma_start3A_570 : memref<8x512xf32, #tpu.memory_space<vmem>>) offsets(%dma_start3A_571 : memref<8xi32, #tpu.memory_space<vmem>>) semaphore(%arg12 : memref<!tpu.dma_semaphore, #tpu.memory_space<semaphore_mem>>)
        %mul3A_575 = arith.constant 8 : i32
        %mul3A_576 = arith.muli %sub3A_530, %mul3A_575 : i32
        %add3A_577 = arith.constant 4096 : i32
        %add3A_578 = arith.addi %add3A_577, %mul3A_576 : i32
        %dma_start3A_579 = arith.constant 32 : i32
        %dma_start3A_580 = arith.constant 0 : i32
        %dma_start3A_581 = tpu.memref_slice %arg8[%dma_start3A_579, %dma_start3A_580] : memref<48x512xf32, #tpu.memory_space<vmem>> -> memref<8x512xf32, #tpu.memory_space<vmem>>
        %dma_start3A_582 = tpu.memref_slice %arg5[%add3A_578] : memref<6144xi32, #tpu.memory_space<vmem>> -> memref<8xi32, #tpu.memory_space<vmem>>
        %dma_start3A_583 = arith.constant 0 : i32
        %dma_start3A_584 = arith.constant 0 : i32
        %dma_start3A_585 = tpu.memref_slice %arg2[%dma_start3A_583, %dma_start3A_584] : memref<209x512xf32, #tpu.memory_space<hbm>> -> memref<209x512xf32, #tpu.memory_space<hbm>>
        tpu.enqueue_indirect_dma source(%dma_start3A_585 : memref<209x512xf32, #tpu.memory_space<hbm>>) target(%dma_start3A_581 : memref<8x512xf32, #tpu.memory_space<vmem>>) offsets(%dma_start3A_582 : memref<8xi32, #tpu.memory_space<vmem>>) semaphore(%arg12 : memref<!tpu.dma_semaphore, #tpu.memory_space<semaphore_mem>>)
        %mul3A_586 = arith.constant 8 : i32
        %mul3A_587 = arith.muli %sub3A_530, %mul3A_586 : i32
        %add3A_588 = arith.constant 5120 : i32
        %add3A_589 = arith.addi %add3A_588, %mul3A_587 : i32
        %dma_start3A_590 = arith.constant 40 : i32
        %dma_start3A_591 = arith.constant 0 : i32
        %dma_start3A_592 = tpu.memref_slice %arg8[%dma_start3A_590, %dma_start3A_591] : memref<48x512xf32, #tpu.memory_space<vmem>> -> memref<8x512xf32, #tpu.memory_space<vmem>>
        %dma_start3A_593 = tpu.memref_slice %arg5[%add3A_589] : memref<6144xi32, #tpu.memory_space<vmem>> -> memref<8xi32, #tpu.memory_space<vmem>>
        %dma_start3A_594 = arith.constant 0 : i32
        %dma_start3A_595 = arith.constant 0 : i32
        %dma_start3A_596 = tpu.memref_slice %arg2[%dma_start3A_594, %dma_start3A_595] : memref<209x512xf32, #tpu.memory_space<hbm>> -> memref<209x512xf32, #tpu.memory_space<hbm>>
        tpu.enqueue_indirect_dma source(%dma_start3A_596 : memref<209x512xf32, #tpu.memory_space<hbm>>) target(%dma_start3A_592 : memref<8x512xf32, #tpu.memory_space<vmem>>) offsets(%dma_start3A_593 : memref<8xi32, #tpu.memory_space<vmem>>) semaphore(%arg12 : memref<!tpu.dma_semaphore, #tpu.memory_space<semaphore_mem>>)
      } else {
      }
    }
    %scan3A_210 = arith.constant 32 : i32
    %dma_wait3A = arith.constant 0 : i32
    %dma_wait3A_211 = arith.constant 0 : i32
    %dma_wait3A_212 = tpu.memref_slice %arg4[%mul3A_2, %dma_wait3A, %dma_wait3A_211] : memref<4096x50x512xf32, #tpu.memory_space<hbm>> -> memref<1x48x512xf32, #tpu.memory_space<hbm>>
    %dma_wait3A_213 = tpu.memref_squeeze %dma_wait3A_212 : memref<1x48x512xf32, #tpu.memory_space<hbm>> -> memref<48x512xf32, #tpu.memory_space<hbm>>
    %dma_wait3A_214 = arith.constant 0 : i32
    %dma_wait3A_215 = arith.constant 0 : i32
    %dma_wait3A_216 = tpu.memref_slice %arg4[%mul3A_2, %dma_wait3A_214, %dma_wait3A_215] : memref<4096x50x512xf32, #tpu.memory_space<hbm>> -> memref<1x48x512xf32, #tpu.memory_space<hbm>>
    %dma_wait3A_217 = tpu.memref_squeeze %dma_wait3A_216 : memref<1x48x512xf32, #tpu.memory_space<hbm>> -> memref<48x512xf32, #tpu.memory_space<hbm>>
    tpu.wait_dma2 semaphore(%arg14 : memref<!tpu.dma_semaphore, #tpu.memory_space<semaphore_mem>>) src(%arg6 : memref<48x512xf32, #tpu.memory_space<vmem>>) dst(%dma_wait3A_217 : memref<48x512xf32, #tpu.memory_space<hbm>>)
    %dma_wait3A_218 = arith.constant 0 : i32
    %dma_wait3A_219 = arith.constant 0 : i32
    %dma_wait3A_220 = tpu.memref_slice %arg4[%mul3A_2, %dma_wait3A_218, %dma_wait3A_219] : memref<4096x50x512xf32, #tpu.memory_space<hbm>> -> memref<1x48x512xf32, #tpu.memory_space<hbm>>
    %dma_wait3A_221 = tpu.memref_squeeze %dma_wait3A_220 : memref<1x48x512xf32, #tpu.memory_space<hbm>> -> memref<48x512xf32, #tpu.memory_space<hbm>>
    %dma_wait3A_222 = arith.constant 0 : i32
    %dma_wait3A_223 = arith.constant 0 : i32
    %dma_wait3A_224 = tpu.memref_slice %arg4[%mul3A_2, %dma_wait3A_222, %dma_wait3A_223] : memref<4096x50x512xf32, #tpu.memory_space<hbm>> -> memref<1x48x512xf32, #tpu.memory_space<hbm>>
    %dma_wait3A_225 = tpu.memref_squeeze %dma_wait3A_224 : memref<1x48x512xf32, #tpu.memory_space<hbm>> -> memref<48x512xf32, #tpu.memory_space<hbm>>
    tpu.wait_dma2 semaphore(%arg15 : memref<!tpu.dma_semaphore, #tpu.memory_space<semaphore_mem>>) src(%arg7 : memref<48x512xf32, #tpu.memory_space<vmem>>) dst(%dma_wait3A_225 : memref<48x512xf32, #tpu.memory_space<hbm>>)
    %dma_wait3A_226 = arith.constant 0 : i32
    %dma_wait3A_227 = arith.constant 0 : i32
    %dma_wait3A_228 = tpu.memref_slice %arg4[%mul3A_2, %dma_wait3A_226, %dma_wait3A_227] : memref<4096x50x512xf32, #tpu.memory_space<hbm>> -> memref<1x48x512xf32, #tpu.memory_space<hbm>>
    %dma_wait3A_229 = tpu.memref_squeeze %dma_wait3A_228 : memref<1x48x512xf32, #tpu.memory_space<hbm>> -> memref<48x512xf32, #tpu.memory_space<hbm>>
    %dma_wait3A_230 = arith.constant 0 : i32
    %dma_wait3A_231 = arith.constant 0 : i32
    %dma_wait3A_232 = tpu.memref_slice %arg4[%mul3A_2, %dma_wait3A_230, %dma_wait3A_231] : memref<4096x50x512xf32, #tpu.memory_space<hbm>> -> memref<1x48x512xf32, #tpu.memory_space<hbm>>
    %dma_wait3A_233 = tpu.memref_squeeze %dma_wait3A_232 : memref<1x48x512xf32, #tpu.memory_space<hbm>> -> memref<48x512xf32, #tpu.memory_space<hbm>>
    tpu.wait_dma2 semaphore(%arg16 : memref<!tpu.dma_semaphore, #tpu.memory_space<semaphore_mem>>) src(%arg8 : memref<48x512xf32, #tpu.memory_space<vmem>>) dst(%dma_wait3A_233 : memref<48x512xf32, #tpu.memory_space<hbm>>)
    %dma_wait3A_234 = arith.constant 0 : i32
    %dma_wait3A_235 = arith.constant 0 : i32
    %dma_wait3A_236 = tpu.memref_slice %arg4[%mul3A_2, %dma_wait3A_234, %dma_wait3A_235] : memref<4096x50x512xf32, #tpu.memory_space<hbm>> -> memref<1x48x512xf32, #tpu.memory_space<hbm>>
    %dma_wait3A_237 = tpu.memref_squeeze %dma_wait3A_236 : memref<1x48x512xf32, #tpu.memory_space<hbm>> -> memref<48x512xf32, #tpu.memory_space<hbm>>
    %dma_wait3A_238 = arith.constant 0 : i32
    %dma_wait3A_239 = arith.constant 0 : i32
    %dma_wait3A_240 = tpu.memref_slice %arg4[%mul3A_2, %dma_wait3A_238, %dma_wait3A_239] : memref<4096x50x512xf32, #tpu.memory_space<hbm>> -> memref<1x48x512xf32, #tpu.memory_space<hbm>>
    %dma_wait3A_241 = tpu.memref_squeeze %dma_wait3A_240 : memref<1x48x512xf32, #tpu.memory_space<hbm>> -> memref<48x512xf32, #tpu.memory_space<hbm>>
    tpu.wait_dma2 semaphore(%arg17 : memref<!tpu.dma_semaphore, #tpu.memory_space<semaphore_mem>>) src(%arg9 : memref<48x512xf32, #tpu.memory_space<vmem>>) dst(%dma_wait3A_241 : memref<48x512xf32, #tpu.memory_space<hbm>>)
    return
  }
}

module attributes {stable_mosaic.version = 14 : i64} {
  func.func @_argmax_body(%arg0: i32, %arg1: i32, %arg2: memref<512x8x209xf32, #tpu.memory_space<vmem>>, %arg3: memref<1x1x4096xi32, #tpu.memory_space<vmem>>) attributes {dimension_semantics = [#tpu.dimension_semantics<parallel>, #tpu.dimension_semantics<parallel>], iteration_bounds = array<i64: 8, 7>, scalar_prefetch = 0 : i64, scratch_operands = 0 : i64, tpu.core_type = #tpu.core_type<tc>, window_params = [{transform_indices = @transform_0, window_bounds = array<i64: 512, 8, 209>}, {transform_indices = @transform_1, window_bounds = array<i64: 1, 1, 4096>}]} {
    %get3A = arith.constant 0 : index
    %get3A_0 = arith.constant 0 : index
    %get3A_1 = arith.constant 0 : index
    %get3A_2 = vector.load %arg2[%get3A, %get3A_0, %get3A_1] : memref<512x8x209xf32, #tpu.memory_space<vmem>>, vector<512x8x209xf32>
    %reshape3A = vector.shape_cast %get3A_2 : vector<512x8x209xf32> to vector<4096x209xf32>
    %reduce_max3A = arith.constant dense<0xFF800000> : vector<4096xf32>
    %reduce_max3A_3 = vector.multi_reduction <maximumf>, %reshape3A, %reduce_max3A [1] : vector<4096x209xf32> to vector<4096xf32>
    %broadcast_in_dim3A = vector.shape_cast %reduce_max3A_3 : vector<4096xf32> to vector<4096x1xf32>
    %iota3A = tpu.iota {dimensions = array<i32: 1>} : vector<4096x209xi32>
    %eq3A = vector.broadcast %broadcast_in_dim3A : vector<4096x1xf32> to vector<4096x209xf32>
    %eq3A_4 = arith.cmpf oeq, %reshape3A, %eq3A : vector<4096x209xf32>
    %jit3A = arith.constant 209 : i32
    %broadcast_in_dim3A_5 = vector.broadcast %jit3A : i32 to vector<4096x209xi32>
    %select_n3A = arith.select %eq3A_4, %iota3A, %broadcast_in_dim3A_5 : vector<4096x209xi1>, vector<4096x209xi32>
    %reduce_min3A = arith.constant dense<2147483647> : vector<4096xi32>
    %reduce_min3A_6 = vector.multi_reduction <minsi>, %select_n3A, %reduce_min3A [1] : vector<4096x209xi32> to vector<4096xi32>
    %broadcast_in_dim3A_7 = vector.shape_cast %reduce_min3A_6 : vector<4096xi32> to vector<4096x1xi32>
    %min3A = arith.constant 208 : i32
    %min3A_8 = vector.broadcast %min3A : i32 to vector<4096x1xi32>
    %min3A_9 = arith.minsi %broadcast_in_dim3A_7, %min3A_8 : vector<4096x1xi32>
    %reshape3A_10 = vector.shape_cast %min3A_9 : vector<4096x1xi32> to vector<1x1x4096xi32>
    %swap3A = arith.constant 0 : index
    %swap3A_11 = arith.constant 0 : index
    %swap3A_12 = arith.constant 0 : index
    %swap3A_13 = vector.load %arg3[%swap3A, %swap3A_11, %swap3A_12] : memref<1x1x4096xi32, #tpu.memory_space<vmem>>, vector<1x1x4096xi32>
    tpu.vector_store %arg3[%swap3A, %swap3A_11, %swap3A_12], %reshape3A_10 {strides = array<i32>} : memref<1x1x4096xi32, #tpu.memory_space<vmem>>, vector<1x1x4096xi32>,
    return
  }
  func.func @transform_0(%arg0: i32, %arg1: i32) -> (i32, i32, i32) {
    %c0_i32 = arith.constant 0 : i32
    %c0_i32_0 = arith.constant 0 : i32
    return %arg0, %arg1, %c0_i32 : i32, i32, i32
  }
  func.func @transform_1(%arg0: i32, %arg1: i32) -> (i32, i32, i32) {
    %mul3A = arith.constant 7 : i32
    %mul3A_0 = arith.muli %arg0, %mul3A : i32
    %add3A = arith.addi %mul3A_0, %arg1 : i32
    %c0_i32 = arith.constant 0 : i32
    %c0_i32_1 = arith.constant 0 : i32
    %c0_i32_2 = arith.constant 0 : i32
    return %add3A, %c0_i32, %c0_i32_1 : i32, i32, i32
  }
}

module attributes {stable_mosaic.version = 14 : i64} {
  func.func @_tail_body(%arg0: i32, %arg1: memref<512x8x209xf32, #tpu.memory_space<vmem>>, %arg2: memref<209x512xf32, #tpu.memory_space<vmem>>, %arg3: memref<4096x50x512xf32, #tpu.memory_space<any>>, %arg4: memref<512x8x512xf32, #tpu.memory_space<vmem>>) attributes {dimension_semantics = [#tpu.dimension_semantics<parallel>], iteration_bounds = array<i64: 8>, scalar_prefetch = 0 : i64, scratch_operands = 0 : i64, tpu.core_type = #tpu.core_type<tc>, window_params = [{transform_indices = @transform_0, window_bounds = array<i64: 512, 8, 209>}, {pipeline_mode = #tpu.pipeline_mode<synchronous>, transform_indices = @transform_1, window_bounds = array<i64: 209, 512>}, {}, {transform_indices = @transform_3, window_bounds = array<i64: 512, 8, 512>}]} {
    %get3A = arith.constant 0 : index
    %get3A_0 = arith.constant 0 : index
    %get3A_1 = arith.constant 0 : index
    %get3A_2 = vector.load %arg1[%get3A, %get3A_0, %get3A_1] : memref<512x8x209xf32, #tpu.memory_space<vmem>>, vector<512x8x209xf32>
    %reshape3A = vector.shape_cast %get3A_2 : vector<512x8x209xf32> to vector<4096x209xf32>
    %reduce_max3A = arith.constant dense<0xFF800000> : vector<4096xf32>
    %reduce_max3A_3 = vector.multi_reduction <maximumf>, %reshape3A, %reduce_max3A [1] : vector<4096x209xf32> to vector<4096xf32>
    %broadcast_in_dim3A = vector.shape_cast %reduce_max3A_3 : vector<4096xf32> to vector<4096x1xf32>
    %iota3A = tpu.iota {dimensions = array<i32: 1>} : vector<4096x209xi32>
    %eq3A = vector.broadcast %broadcast_in_dim3A : vector<4096x1xf32> to vector<4096x209xf32>
    %eq3A_4 = arith.cmpf oeq, %reshape3A, %eq3A : vector<4096x209xf32>
    %jit3A = arith.constant 209 : i32
    %broadcast_in_dim3A_5 = vector.broadcast %jit3A : i32 to vector<4096x209xi32>
    %select_n3A = arith.select %eq3A_4, %iota3A, %broadcast_in_dim3A_5 : vector<4096x209xi1>, vector<4096x209xi32>
    %reduce_min3A = arith.constant dense<2147483647> : vector<4096xi32>
    %reduce_min3A_6 = vector.multi_reduction <minsi>, %select_n3A, %reduce_min3A [1] : vector<4096x209xi32> to vector<4096xi32>
    %broadcast_in_dim3A_7 = vector.shape_cast %reduce_min3A_6 : vector<4096xi32> to vector<4096x1xi32>
    %eq3A_8 = vector.broadcast %broadcast_in_dim3A_7 : vector<4096x1xi32> to vector<4096x209xi32>
    %eq3A_9 = arith.cmpi eq, %iota3A, %eq3A_8 : vector<4096x209xi32>
    %convert_element_type3A = arith.extui %eq3A_9 : vector<4096x209xi1> to vector<4096x209xi32>
    %convert_element_type3A_10 = arith.sitofp %convert_element_type3A : vector<4096x209xi32> to vector<4096x209xf32>
    %convert_element_type3A_11 = arith.truncf %convert_element_type3A_10 : vector<4096x209xf32> to vector<4096x209xbf16>
    %get3A_12 = arith.constant 0 : index
    %get3A_13 = arith.constant 0 : index
    %get3A_14 = vector.load %arg2[%get3A_12, %get3A_13] : memref<209x512xf32, #tpu.memory_space<vmem>>, vector<209x512xf32>
    %dot_general3A = arith.constant dense<0.000000e+00> : vector<4096x512xf32>
    %dot_general3A_15 = tpu.matmul %convert_element_type3A_11, %get3A_14, %dot_general3A {dimension_numbers = #tpu.dot_dimension_numbers<[1], [0], [0], [1], [0, 0, 1, 1], [], []>, transpose_lhs_hint = false} : vector<4096x209xbf16>, vector<209x512xf32>, vector<4096x512xf32> -> vector<4096x512xf32>
    %reshape3A_16 = vector.shape_cast %dot_general3A_15 : vector<4096x512xf32> to vector<512x8x512xf32>
    %swap3A = arith.constant 0 : index
    %swap3A_17 = arith.constant 0 : index
    %swap3A_18 = arith.constant 0 : index
    %swap3A_19 = vector.load %arg4[%swap3A, %swap3A_17, %swap3A_18] : memref<512x8x512xf32, #tpu.memory_space<vmem>>, vector<512x8x512xf32>
    tpu.vector_store %arg4[%swap3A, %swap3A_17, %swap3A_18], %reshape3A_16 {strides = array<i32>} : memref<512x8x512xf32, #tpu.memory_space<vmem>>, vector<512x8x512xf32>,
    return
  }
  func.func @transform_0(%arg0: i32) -> (i32, i32, i32) {
    %c6_i32 = arith.constant 6 : i32
    %c0_i32 = arith.constant 0 : i32
    %c0_i32_0 = arith.constant 0 : i32
    return %arg0, %c6_i32, %c0_i32 : i32, i32, i32
  }
  func.func @transform_1(%arg0: i32) -> (i32, i32) {
    %c0_i32 = arith.constant 0 : i32
    %c0_i32_0 = arith.constant 0 : i32
    %c0_i32_1 = arith.constant 0 : i32
    return %c0_i32, %c0_i32_0 : i32, i32
  }
  func.func @transform_3(%arg0: i32) -> (i32, i32, i32) {
    %c6_i32 = arith.constant 6 : i32
    %c0_i32 = arith.constant 0 : i32
    %c0_i32_0 = arith.constant 0 : i32
    return %arg0, %c6_i32, %c0_i32 : i32, i32, i32
  }
}

</mosaic_0001>

<sc_bundles>
// kernel: kernel.5.cloned.1.call-start
scs
__scs_entry_jumppad:
0x0: {  	(pc) =	sbr.rel $0x88, $3  }
0x1: {  	(tag) =	ssettag $0x0;
	lr =	simm.s32 $0x1  }
0x2: {  	[smem:$0x3F9F] =	sst lr;
	_ =	strace $0xD0000000  }
0x3: {  	_ = 	snop  }
0x4: {  	_ = 	snop  }
0x5: {  	_ = 	snop  }
0x6: {  	_ = 	snop  }
0x7: {  	_ = 	snop  }
__scs_overlays_trampoline_lowered:
0x8: {  	[smem:$0x3FAE] =	sst s0  }
0x9: {  	[smem:$0x3FAF] =	sst s1  }
0xa: {  	[smem:$0x3FB0] =	sst s2  }
0xb: {  	[smem:$0x3FB1] =	sst s3  }
0xc: {  	[smem:$0x3FB2] =	sst s4  }
0xd: {  	[smem:$0x3FB3] =	sst s5  }
0xe: {  	[smem:$0x3FB4] =	sst s6  }
0xf: {  	[smem:$0x3FB5] =	sst s7  }
0x10: {  	[smem:$0x3FB6] =	sst s8  }
0x11: {  	[smem:$0x3FB7] =	sst s9;
	s0 =	simm.s32 @!p0 $0x0  }
0x12: {  	s1 =	sld [smem:$0x3F9D];
	s0 =	simm.s32 @p0 $0x1  }
0x13: {  	[smem:$0x3FB8] =	sst s0;
	s0 =	simm.s32 @!p1 $0x0  }
0x14: {  	s2 =	sld [smem:$0x3F9C];
	s0 =	simm.s32 @p1 $0x1  }
0x15: {  	[smem:$0x3FB9] =	sst s0;
	s0 =	simm.s32 @!p2 $0x0  }
0x16: {  	s3 =	sld [smem:$0x3FDB];
	s0 =	simm.s32 @p2 $0x1  }
0x17: {  	s4 =	simm.s32 $0x1BF5;
	[smem:$0x3FBB] =	sst s0  }
0x18: {  	s0 =	sld [smem:$0x3F9E];
	_ =	swait.ge [sflag:s4], $0x0  }
0x19: {  	s7 =	sld [smem:$0x3F9F]  }
0x1a: {  	s8 =	sadd.s32 $0xFFFFE003, lr  }
0x1b: {  	s9 =	sadd.s32 $0xFFFFFEF7, lr;
	s5 =	simm.s32 $0xFFFFFFFF;
	p2 =	slt.u32 s8, $0xFFFFF086  }
0x1c: {  	p1 =	slt.u32 s9, $0xF7A;
	s5 =	simm.s32 @!p2 $0x0  }
0x1d: {  	s5 =	simm.s32 @p1 $0x1;
	p0 =	seq.s32 s7, s2  }
0x1e: {  	s7 =	smul.u32 @!p0 $0xF7A, s2;
	p2 =	seq.s32 @!p0 s5, $0x0  }
0x1f: {  	s9 =	smul.u32 $0xF7A, s1;
	s8 =	simm.s32 @!p0 $0x1BF5;
	p2 =	por !p2, p0  }
0x20: {  	[sflag:s8] =	ssyncset.s32 @!p0 $0xFFFFF086;
	s6 =	sadd.s32 @!p0 s3, s7;
	s7 =	simm.s32 @!p0 $0x108  }
0x21: {  	s3 =	sadd.s32 s3, s9;
	s6 =	sadd.s32 @!p0 $0x88, s6;
	s7 =	simm.s32 @p2 $0x1082  }
0x22: {  	[simem:s7], [sflag:s8] =	dma.local @!p0 [hbm:s6], $0xF7A  }
0x23: {  	s9 =	sor.u32 $0xD0000000, s2;
	s6 =	simm.s32 $0x108;
	_ =	swait.ge @!p0 [sflag:s8], $0x0  }
0x24: {  	s3 =	sadd.s32 $0x88, s3;
	s6 =	simm.s32 @!p1 $0x1082;
	[sflag:s4] =	ssyncset.s32 $0xFFFFF086  }
0x25: {  	[simem:s6], [sflag:s4] =	dma.local [hbm:s3], $0xF7A  }
0x26: {  	[smem:$0x3F9F] =	sst s1;
	(tag) =	ssettag s2;
	_ =	strace s9  }
0x27: {  	s1 =	sld [smem:$0x3FAF]  }
0x28: {  	s2 =	sld [smem:$0x3FB0]  }
0x29: {  	s4 =	sld [smem:$0x3FB2]  }
0x2a: {  	p0 =	seq.s32 s5, $0x0;
	s5 =	sld [smem:$0x3FB3]  }
0x2b: {  	s6 =	sld [smem:$0x3FB4]  }
0x2c: {  	s7 =	sld [smem:$0x3FB5]  }
0x2d: {  	s3 =	simm.s32 $0x108;
	s8 =	sld [smem:$0x3FB6]  }
0x2e: {  	s3 =	simm.s32 @!p0 $0x1082;
	s9 =	sld [smem:$0x3FB7]  }
0x2f: {  	lr =	sadd.s32 s0, s3;
	s0 =	sld [smem:$0x3FAE]  }
0x30: {  	s3 =	sld [smem:$0x3FB1]  }
0x31: {  	[smem:$0x3FBA] =	sst s10  }
0x32: {  	s10 =	sld [smem:$0x3FB8];
	_ =	sdelay $0x3  }
0x33: {  	p0 =	seq.s32 s10, $0x1;
	s10 =	sld [smem:$0x3FBA];
	_ =	sdelay $0x3  }
0x34: {  	[smem:$0x3FBA] =	sst s10  }
0x35: {  	s10 =	sld [smem:$0x3FB9];
	_ =	sdelay $0x3  }
0x36: {  	p1 =	seq.s32 s10, $0x1;
	s10 =	sld [smem:$0x3FBA];
	_ =	sdelay $0x3  }
0x37: {  	[smem:$0x3FBA] =	sst s10  }
0x38: {  	s10 =	sld [smem:$0x3FBB]  }
0x39: {  	_ = 	snop;
	(pc) =	sbr.ind lr, $3  }
0x3a: {  	_ = 	snop  }
0x3b: {  	_ = 	snop  }
0x3c: {  	p2 =	seq.s32 s10, $0x1;
	s10 =	sld [smem:$0x3FBA]  }
0x3d: {  	_ =	shalt  }
0x3e: {  	_ =	shalt  }
0x3f: {  	_ =	shalt  }
0x40: {  	_ =	shalt  }
0x41: {  	_ =	shalt  }
0x42: {  	_ =	shalt  }
0x43: {  	_ =	shalt  }
0x44: {  	_ =	shalt  }
0x45: {  	_ =	shalt  }
0x46: {  	_ =	shalt  }
0x47: {  	_ =	shalt  }
0x48: {  	_ =	shalt  }
0x49: {  	_ =	shalt  }
0x4a: {  	_ =	shalt  }
0x4b: {  	_ =	shalt  }
0x4c: {  	_ =	shalt  }
0x4d: {  	_ =	shalt  }
0x4e: {  	_ =	shalt  }
0x4f: {  	_ =	shalt  }
0x50: {  	_ =	shalt  }
0x51: {  	_ =	shalt  }
0x52: {  	_ =	shalt  }
0x53: {  	_ =	shalt  }
0x54: {  	_ =	shalt  }
0x55: {  	_ =	shalt  }
0x56: {  	_ =	shalt  }
0x57: {  	_ =	shalt  }
0x58: {  	_ =	shalt  }
0x59: {  	_ =	shalt  }
0x5a: {  	_ =	shalt  }
0x5b: {  	_ =	shalt  }
0x5c: {  	_ =	shalt  }
0x5d: {  	_ =	shalt  }
0x5e: {  	_ =	shalt  }
0x5f: {  	_ =	shalt  }
0x60: {  	_ =	shalt  }
0x61: {  	_ =	shalt  }
0x62: {  	_ =	shalt  }
0x63: {  	_ =	shalt  }
0x64: {  	_ =	shalt  }
0x65: {  	_ =	shalt  }
0x66: {  	_ =	shalt  }
0x67: {  	_ =	shalt  }
0x68: {  	_ =	shalt  }
0x69: {  	_ =	shalt  }
0x6a: {  	_ =	shalt  }
0x6b: {  	_ =	shalt  }
0x6c: {  	_ =	shalt  }
0x6d: {  	_ =	shalt  }
0x6e: {  	_ =	shalt  }
0x6f: {  	_ =	shalt  }
0x70: {  	_ =	shalt  }
0x71: {  	_ =	shalt  }
0x72: {  	_ =	shalt  }
0x73: {  	_ =	shalt  }
0x74: {  	_ =	shalt  }
0x75: {  	_ =	shalt  }
0x76: {  	_ =	shalt  }
0x77: {  	_ =	shalt  }
0x78: {  	_ =	shalt  }
0x79: {  	_ =	shalt  }
0x7a: {  	_ =	shalt  }
0x7b: {  	_ =	shalt  }
0x7c: {  	_ =	shalt  }
0x7d: {  	_ =	shalt  }
0x7e: {  	_ =	shalt  }
0x7f: {  	_ =	shalt  }
0x80: {  	_ =	shalt  }
0x81: {  	_ =	shalt  }
0x82: {  	_ =	shalt  }
0x83: {  	_ =	shalt  }
0x84: {  	_ =	shalt  }
0x85: {  	_ =	shalt  }
0x86: {  	_ =	shalt  }
0x87: {  	_ =	shalt  }
.Lfunc_end0:
.L_simem_size_0:
called_computation_lowered:
.L_overlay_start_0:
0x88: {  	s2 =	sld [smem:$0x3FD9]  }
0x89: {  	s3 =	sld [smem:$0x3FFE];
	_ =	sdelay $0x1  }
0x8a: {  	s1 =	srdreg.scid  }
0x8b: {  	s0 =	sand.u32 $0x1, s1  }
0x8c: {  	s17 =	sshll.u32 s0, $0xA;
	s2 =	sadd.s32 s3, s2  }
0x8d: {  	s2 =	sadd.s32 s2, s17  }
0x8e: {  	[smem:$0x3FC6] =	sst s2  }
0x8f: {  	_ = 	snop  }
0x90: {  	s2 =	sld [smem:$0x3FC8];
	(tm) =	ssettm $0x1  }
0x91: {  	s18 =	sld [smem:$0x3FFB];
	_ =	sdelay $0x3  }
0x92: {  	_ =	strace s18  }
0x93: {  	s3 =	sld [smem:$0x3FFC];
	_ =	sdelay $0x3  }
0x94: {  	_ =	strace s3  }
0x95: {  	s3 =	sld [smem:$0x3FFD];
	_ =	sdelay $0x3  }
0x96: {  	_ =	strace s3  }
0x97: {  	_ =	strace $0x8FFFFFFF  }
0x98: {  	s19 =	sld [smem:$0x3FDB];
	_ =	sdelay $0x1  }
0x99: {  	s4 =	simm.s32 $_scs_section_size  }
0x9a: {  	s5 =	simm.s32 $_size__tile_overlayer_lowered;
	s6 =	simm.s32 $_tile_overlayer_lowered  }
0x9b: {  	s22 =	simm.s32 $0x1BFF;
	s21 =	sshll.u32 s6, $0x1;
	s3 =	sadd.s32 s4, s19  }
0x9c: {  	s7 =	simm.s32 $0x0;
	s20 =	sshll.u32 s5, $0x1;
	s5 =	sadd.s32 s21, s3  }
0x9d: {  	[timem:s7], [sflag:s22] =	dma.local [hbm:s5], s20  }
0x9e: {  	_ =	swait.ge [sflag:s22], s20  }
0x9f: {  	s4 =	ssub.s32 $0x0, s20;
	[sflag:s22] =	ssyncset.done $0x0  }
0xa0: {  	[sflag:s22] =	ssyncadd.s32 s4;
	_ =	sdelay $0x1  }
0xa1: {  	s23 =	simm.s32 $0x1B8B  }
0xa2: {  	_ =	swait.ge [sflag:s23], $0x1  }
0xa3: {  	[sflag:s23] =	ssyncset.done $0x0  }
0xa4: {  	s25 =	simm.s32 $0x1B8E;
	s24 =	sld [smem:$0x3FFE];
	[sflag:s23] =	ssyncadd.s32 $0xFFFFFFFF  }
0xa5: {  	s26 =	simm.s32 $execute0_lowered;
	[smem:$0x3FD2] =	sst s25  }
0xa6: {  	s5 =	sshll.u32 s26, $0x1;
	_ =	strace $0x80000046;
	[dreg:$0x1] =	wrdreg $0xFFFFFFFF  }
0xa7: {  	s28 =	simm.s32 $_size_execute0_lowered;
	s3 =	sadd.s32 s3, s5;
	[dreg:$0x0] =	wrdreg $0x0  }
0xa8: {  	s5 =	sshll.u32 s28, $0x1;
	[dreg:$0x2] =	wrdreg s3  }
0xa9: {  	[dreg:$0x3] =	wrdreg s5  }
0xaa: {  	[dreg:$0x4] =	wrdreg $0xC0  }
0xab: {  	_ =	task [dreg:s7], $0x5FFFF  }
0xac: {  	[dreg:$0x1] =	wrdreg $0xFFFFFFFF  }
0xad: {  	[dreg:$0x0] =	wrdreg $0x60  }
0xae: {  	[dreg:$0x2] =	wrdreg s2  }
0xaf: {  	[dreg:$0x3] =	wrdreg s24  }
0xb0: {  	[dreg:$0x4] =	wrdreg $0x9  }
0xb1: {  	_ =	task.clear_ibuf [dreg:s7], $0x5FFFF;
	_ =	strace $0x90000046  }
0xb2: {  	s29 =	simm.s32 $0x9;
	_ =	strace $0x80000048  }
0xb3: {  	_ =	swait.ge [sflag:s29], $0x1  }
0xb4: {  	[sflag:s29] =	ssyncadd.s32 $0xFFFFFFFF  }
0xb5: {  	_ =	strace $0x90000048  }
0xb6: {  	_ =	sfence  }
0xb7: {  	s30 =	sld [smem:$0x0];
	_ =	sdelay $0x2  }
0xb8: {  	s31 =	sshll.u32 s1, $0xD;
	s1 =	sshrl.u32 s1, $0x2  }
0xb9: {  	s3 =	sand.u32 $0x4000, s31;
	s1 =	sadd.s32 s1, s30  }
0xba: {  	s0 =	sor.u32 s3, s0;
	s1 =	sshll.u32 s1, $0x11  }
0xbb: {  	s0 =	sor.u32 s1, s0  }
0xbc: {  	s0 =	sadd.s32 $0x8F2B, s0  }
0xbd: {  	[sflag:s0] =	ssyncadd.remote.s32 $0x1  }
0xbe: {  	_ =	sfence.sel $0xFFFF  }
0xbf: {  	[dreg:$0x0] =	wrdreg $0xFFFFFFFF;
	(pc) =	sbr.abs _section_cstart, $3  }
0xc0: {  	[dreg:$0x1] =	wrdreg $0xFFFFFFFF  }
0xc1: {  	_ =	task.clear_ibuf [dreg:s7], $0x2FFFF;
	_ =	strace $0x9FFFFFFF  }
0xc2: {  	(tm) =	ssettm $0x7FFFFFFF  }
0xc3: {  	_ =	shalt  }
tec
execute0_lowered:
.L_overlay_start_1:
0x0: {  	(tag) =	ssettag $0x1  }
0x1: {  	s1 =	rddreg [dreg:$0x0]  }
0x2: {  	s0 =	rddreg [dreg:$0x1];
	s3 =	simm.s32 $0x0  }
0x3: {  	s2 =	srdreg.scid;
	s7 =	stileid.u32;
	s30 =	simm.s32 $0x13000  }
0x4: {  	s31 =	simm.s32 $0x1;
	s14 =	simm.s32 $0x14000;
	s15 =	simm.s32 $0x14800  }
0x5: {  	s13 =	simm.s32 $0x19000;
	s11 =	simm.s32 $0x2;
	s28 =	simm.s32 $0x0  }
0x6: {  	[smem:$0x7FF] =	sst s3;
	s2 =	sand.u32 $0x1, s2;
	s4 =	sshrl.u32 s7, $0x1  }
0x7: {  	s5 =	sshll.u32 s7, $0xB;
	s16 =	smul.u32 $0xE0000, s7;
	s8 =	sadd.s32 $0x800, s0  }
0x8: {  	s10 =	sadd.s32 $0x100, s1;
	s6 =	sshll.u32 s2, $0xA;
	s4 =	smul.u32 $0x7000, s4  }
0x9: {  	_ =	strace $0x80000047;
	s17 =	ssub.s32 $0x2, s2;
	s2 =	smul.u32 $0x70000, s2  }
0xa: {  	s5 =	sor.u32 s6, s5;
	s9 =	sshrl.u32 s17, $0x1;
	s0 =	sadd.s32 s16, s0  }
0xb: {  	s16 =	simm.s32 $0x15000;
	s5 =	sand.u32 $0xC00, s5;
	s18 =	ssub.s32 s17, s9  }
0xc: {  	s0 =	sadd.s32 s2, s0;
	s9 =	simm.s32 $0xD800;
	s2 =	simm.s32 $0x13800  }
0xd: {  	s17 =	simm.s32 $0x15800;
	s4 =	sor.u32 s4, s5;
	s29 =	smax.u32 s18, $0x1  }
0xe: {  	s12 =	sadd.s32 $0x7800, s0;
	s0 =	simm.s32 $0x7800;
	s18 =	simm.s32 $0x16000  }
0xf: {  	s5 =	simm.s32 $0x17000;
	s19 =	sshrl.u32 s4, $0x3;
	s20 =	sadd.s32 $0x1000, s4  }
0x10: {  	s21 =	sadd.s32 $0x2000, s4;
	s22 =	sadd.s32 $0x3000, s4;
	s25 =	sadd.s32 $0x4000, s4  }
0x11: {  	s4 =	sadd.s32 $0x5000, s4;
	[dreg:$0x9] =	wrdreg s29;
	s6 =	sadd.s32 s8, s19  }
0x12: {  	s7 =	sshrl.u32 s21, $0x3;
	s24 =	sshrl.u32 s22, $0x3;
	s26 =	sshrl.u32 s25, $0x3  }
0x13: {  	s4 =	sshrl.u32 s4, $0x3;
	s19 =	simm.s32 $0x1800;
	s21 =	simm.s32 $0x4  }
0x14: {  	s22 =	simm.s32 $0x5;
	[dreg:$0x3] =	wrdreg s6;
	s6 =	sshrl.u32 s20, $0x3  }
0x15: {  	s23 =	sadd.s32 s8, s7;
	s4 =	sadd.s32 s8, s4;
	s7 =	simm.s32 $0x18000  }
.Ltmp0:
0x16: {  	s20 =	simm.s32 $0x3;
	[dreg:$0x5] =	wrdreg s23;
	(pc) =	sbr.rel .LBB2_1-.Ltmp0, $4  }
0x17: {  	s6 =	sadd.s32 s8, s6;
	[dreg:$0x8] =	wrdreg s4;
	s4 =	simm.s32 $0x16800  }
0x18: {  	v0 =	vlaneseq.u32;
	s23 =	simm.s32 $0x6;
	[dreg:$0x4] =	wrdreg s6;
	s6 =	sadd.s32 s8, s24  }
0x19: {  	v1 =	vshrl.u32 v0, $0x3;
	s24 =	simm.s32 $0x7;
	[dreg:$0x6] =	wrdreg s6;
	s6 =	sadd.s32 s8, s26  }
0x1a: {  	vm0 =	vmmov $0xffff;
	v0 =	vand.u32 $0x7, v0;
	v1 =	vmul.u32 $0x8, v1;
	s8 =	simm.s32 $0x18800;
	[dreg:$0x7] =	wrdreg s6;
	s6 =	simm.s32 $0x17800  }
.LBB2_8:
0x1b: {  	_ =	swait.ge [sflag:s22], $0x6000  }
0x1c: {  	[sflag:s22] =	ssyncset.done $0x0  }
0x1d: {  	[sflag:s22] =	ssyncadd.s32 $0xFFFFA000  }
0x1e: {  	_ =	swait.ge [sflag:s23], $0x6000  }
0x1f: {  	[sflag:s23] =	ssyncset.done $0x0  }
0x20: {  	[sflag:s23] =	ssyncadd.s32 $0xFFFFA000  }
0x21: {  	_ =	swait.ge [sflag:s24], $0x6000  }
0x22: {  	[sflag:s24] =	ssyncset.done $0x0  }
0x23: {  	s26 =	simm.s32 $0x8;
	[sflag:s24] =	ssyncadd.s32 $0xFFFFA000  }
0x24: {  	_ =	swait.ge [sflag:s26], $0x6000  }
0x25: {  	s28 =	rddreg [dreg:$0xa]  }
0x26: {  	s25 =	rddreg [dreg:$0x9];
	s28 =	sadd.s32 $0x1, s28  }
0x27: {  	p0 =	sne.s32 s28, s25  }
.Ltmp1:
0x28: {  	_ = 	snop;
	(pc) =	sbr.rel @!p0 .LBB2_9-.Ltmp1, $3  }
0x29: {  	_ =	sdelay $0x1  }
0x2a: {  	[sflag:s26] =	ssyncset.done $0x0  }
0x2b: {  	[sflag:s26] =	ssyncadd.s32 $0xFFFFA000  }
.LBB2_1:
0x2c: {  	[dreg:$0xa] =	wrdreg s28  }
0x2d: {  	s25 =	rddreg [dreg:$0x3];
	s26 =	simm.s32 $0x9  }
0x2e: {  	[tilespmem:s3], [sflag:$0x9] =	stream.linear.gather [hbm4b:s25+s3], $0x400, $0x38;
	[tilespmem:$0x19800] =	vst v63  }
0x2f: {  	_ =	swait.ge [sflag:s26], $0x400  }
0x30: {  	[sflag:s26] =	ssyncset.done $0x0  }
0x31: {  	s29 =	simm.s32 $0x400;
	s25 =	rddreg [dreg:$0x4];
	[sflag:s26] =	ssyncadd.s32 $0xFFFFFC00  }
0x32: {  	[tilespmem:s29], [sflag:$0x9] =	stream.linear.gather [hbm4b:s25+s3], $0x400, $0x38;
	[tilespmem:$0x19800] =	vst v63  }
0x33: {  	_ =	swait.ge [sflag:s26], $0x400  }
0x34: {  	[sflag:s26] =	ssyncset.done $0x0  }
0x35: {  	s29 =	simm.s32 $0x800;
	s25 =	rddreg [dreg:$0x5];
	[sflag:s26] =	ssyncadd.s32 $0xFFFFFC00  }
0x36: {  	[tilespmem:s29], [sflag:$0x9] =	stream.linear.gather [hbm4b:s25+s3], $0x400, $0x38;
	[tilespmem:$0x19800] =	vst v63  }
0x37: {  	_ =	swait.ge [sflag:s26], $0x400  }
0x38: {  	[sflag:s26] =	ssyncset.done $0x0  }
0x39: {  	s29 =	simm.s32 $0xC00;
	s25 =	rddreg [dreg:$0x6];
	[sflag:s26] =	ssyncadd.s32 $0xFFFFFC00  }
0x3a: {  	[tilespmem:s29], [sflag:$0x9] =	stream.linear.gather [hbm4b:s25+s3], $0x400, $0x38;
	[tilespmem:$0x19800] =	vst v63  }
0x3b: {  	_ =	swait.ge [sflag:s26], $0x400  }
0x3c: {  	[sflag:s26] =	ssyncset.done $0x0  }
0x3d: {  	s29 =	simm.s32 $0x1000;
	s25 =	rddreg [dreg:$0x7];
	[sflag:s26] =	ssyncadd.s32 $0xFFFFFC00  }
0x3e: {  	[tilespmem:s29], [sflag:$0x9] =	stream.linear.gather [hbm4b:s25+s3], $0x400, $0x38;
	[tilespmem:$0x19800] =	vst v63  }
0x3f: {  	_ =	swait.ge [sflag:s26], $0x400  }
0x40: {  	[sflag:s26] =	ssyncset.done $0x0  }
0x41: {  	s29 =	simm.s32 $0x1400;
	s25 =	rddreg [dreg:$0x8];
	[sflag:s26] =	ssyncadd.s32 $0xFFFFFC00  }
0x42: {  	[tilespmem:s29], [sflag:$0x9] =	stream.linear.gather [hbm4b:s25+s3], $0x400, $0x38;
	[tilespmem:$0x19800] =	vst v63  }
0x43: {  	_ =	swait.ge [sflag:s26], $0x400  }
0x44: {  	[sflag:s26] =	ssyncset.done $0x0  }
0x45: {  	[sflag:s26] =	ssyncadd.s32 $0xFFFFFC00  }
0x46: {  	v2 =	vld.msk [tilespmem:$0x0], $0xff;
	_ =	sdelay $0x4  }
0x47: {  	v3 =	vshll.u32 v2, $0x2  }
0x48: {  	v2 =	vand.u32 $0x7, v2;
	v3 =	vand.u32 $0xFFFFFFE0, v3  }
0x49: {  	v2 =	vor.u32 v2, v3  }
0x4a: {  	v2 =	vperm.xlane v2, v0;
	_ =	sdelay $0x1  }
0x4b: {  	v2 =	vadd.s32 v1, v2;
	_ =	sdelay $0x4  }
0x4c: {  	[tilespmem:s19], [sflag:$0x1] =	stream.indirect_vreg.gather [hbm4b:s1+s3], $0x80, v2, vm0, $0xb8;
	[tilespmem:$0x19800] =	vst v63  }
0x4d: {  	s28 =	simm.s32 $0x2000  }
0x4e: {  	[tilespmem:s28], [sflag:$0x1] =	stream.indirect_vreg.gather [hbm4b:s10+s3], $0x80, v2, vm0, $0xb8;
	[tilespmem:$0x19800] =	vst v63  }
0x4f: {  	v2 =	vld.msk [tilespmem:$0x400], $0xff;
	_ =	sdelay $0x4  }
0x50: {  	v3 =	vshll.u32 v2, $0x2  }
0x51: {  	v2 =	vand.u32 $0x7, v2;
	v3 =	vand.u32 $0xFFFFFFE0, v3  }
0x52: {  	v2 =	vor.u32 v2, v3  }
0x53: {  	v2 =	vperm.xlane v2, v0;
	_ =	sdelay $0x1  }
0x54: {  	v2 =	vadd.s32 v1, v2;
	_ =	sdelay $0x3  }
0x55: {  	s29 =	simm.s32 $0x2800  }
0x56: {  	[tilespmem:s29], [sflag:$0x1] =	stream.indirect_vreg.gather [hbm4b:s1+s3], $0x80, v2, vm0, $0xb8;
	[tilespmem:$0x19800] =	vst v63  }
0x57: {  	s26 =	simm.s32 $0x3000  }
0x58: {  	[tilespmem:s26], [sflag:$0x1] =	stream.indirect_vreg.gather [hbm4b:s10+s3], $0x80, v2, vm0, $0xb8;
	[tilespmem:$0x19800] =	vst v63  }
0x59: {  	v2 =	vld.msk [tilespmem:$0x800], $0xff;
	_ =	sdelay $0x4  }
0x5a: {  	v3 =	vshll.u32 v2, $0x2  }
0x5b: {  	v2 =	vand.u32 $0x7, v2;
	v3 =	vand.u32 $0xFFFFFFE0, v3  }
0x5c: {  	v2 =	vor.u32 v2, v3  }
0x5d: {  	v2 =	vperm.xlane v2, v0;
	_ =	sdelay $0x1  }
0x5e: {  	v2 =	vadd.s32 v1, v2;
	_ =	sdelay $0x3  }
0x5f: {  	s28 =	simm.s32 $0x3800  }
0x60: {  	[tilespmem:s28], [sflag:$0x1] =	stream.indirect_vreg.gather [hbm4b:s1+s3], $0x80, v2, vm0, $0xb8;
	[tilespmem:$0x19800] =	vst v63  }
0x61: {  	s29 =	simm.s32 $0x4000  }
0x62: {  	[tilespmem:s29], [sflag:$0x1] =	stream.indirect_vreg.gather [hbm4b:s10+s3], $0x80, v2, vm0, $0xb8;
	[tilespmem:$0x19800] =	vst v63  }
0x63: {  	v2 =	vld.msk [tilespmem:$0xC00], $0xff;
	_ =	sdelay $0x4  }
0x64: {  	v3 =	vshll.u32 v2, $0x2  }
0x65: {  	v2 =	vand.u32 $0x7, v2;
	v3 =	vand.u32 $0xFFFFFFE0, v3  }
0x66: {  	v2 =	vor.u32 v2, v3  }
0x67: {  	v2 =	vperm.xlane v2, v0;
	_ =	sdelay $0x1  }
0x68: {  	v2 =	vadd.s32 v1, v2;
	_ =	sdelay $0x3  }
0x69: {  	s26 =	simm.s32 $0x4800  }
0x6a: {  	[tilespmem:s26], [sflag:$0x1] =	stream.indirect_vreg.gather [hbm4b:s1+s3], $0x80, v2, vm0, $0xb8;
	[tilespmem:$0x19800] =	vst v63  }
0x6b: {  	s28 =	simm.s32 $0x5000  }
0x6c: {  	[tilespmem:s28], [sflag:$0x1] =	stream.indirect_vreg.gather [hbm4b:s10+s3], $0x80, v2, vm0, $0xb8;
	[tilespmem:$0x19800] =	vst v63  }
0x6d: {  	v2 =	vld.msk [tilespmem:$0x1000], $0xff;
	_ =	sdelay $0x4  }
0x6e: {  	v3 =	vshll.u32 v2, $0x2  }
0x6f: {  	v2 =	vand.u32 $0x7, v2;
	v3 =	vand.u32 $0xFFFFFFE0, v3  }
0x70: {  	v2 =	vor.u32 v2, v3  }
0x71: {  	v2 =	vperm.xlane v2, v0;
	_ =	sdelay $0x1  }
0x72: {  	v2 =	vadd.s32 v1, v2;
	_ =	sdelay $0x3  }
0x73: {  	s29 =	simm.s32 $0x5800  }
0x74: {  	[tilespmem:s29], [sflag:$0x1] =	stream.indirect_vreg.gather [hbm4b:s1+s3], $0x80, v2, vm0, $0xb8;
	[tilespmem:$0x19800] =	vst v63  }
0x75: {  	s26 =	simm.s32 $0x6000  }
0x76: {  	[tilespmem:s26], [sflag:$0x1] =	stream.indirect_vreg.gather [hbm4b:s10+s3], $0x80, v2, vm0, $0xb8;
	[tilespmem:$0x19800] =	vst v63  }
0x77: {  	v2 =	vld.msk [tilespmem:$0x1400], $0xff;
	_ =	sdelay $0x4  }
0x78: {  	v3 =	vshll.u32 v2, $0x2  }
0x79: {  	v2 =	vand.u32 $0x7, v2;
	v3 =	vand.u32 $0xFFFFFFE0, v3  }
0x7a: {  	v2 =	vor.u32 v2, v3  }
0x7b: {  	v2 =	vperm.xlane v2, v0;
	_ =	sdelay $0x1  }
0x7c: {  	v2 =	vadd.s32 v1, v2;
	_ =	sdelay $0x3  }
0x7d: {  	s28 =	simm.s32 $0x6800  }
0x7e: {  	[tilespmem:s28], [sflag:$0x1] =	stream.indirect_vreg.gather [hbm4b:s1+s3], $0x80, v2, vm0, $0xb8;
	[tilespmem:$0x19800] =	vst v63  }
0x7f: {  	s29 =	simm.s32 $0x7000  }
0x80: {  	[tilespmem:s29], [sflag:$0x1] =	stream.indirect_vreg.gather [hbm4b:s10+s3], $0x80, v2, vm0, $0xb8;
	[tilespmem:$0x19800] =	vst v63  }
0x81: {  	v2 =	vld.msk [tilespmem:$0x8], $0xff;
	_ =	sdelay $0x4  }
0x82: {  	v3 =	vshll.u32 v2, $0x2  }
0x83: {  	v2 =	vand.u32 $0x7, v2;
	v3 =	vand.u32 $0xFFFFFFE0, v3  }
0x84: {  	v2 =	vor.u32 v2, v3  }
0x85: {  	v2 =	vperm.xlane v2, v0;
	_ =	sdelay $0x1  }
0x86: {  	v2 =	vadd.s32 v1, v2;
	_ =	sdelay $0x4  }
0x87: {  	[tilespmem:s0], [sflag:$0x2] =	stream.indirect_vreg.gather [hbm4b:s1+s3], $0x80, v2, vm0, $0xb8;
	[tilespmem:$0x19800] =	vst v63  }
0x88: {  	s26 =	simm.s32 $0x8000  }
0x89: {  	[tilespmem:s26], [sflag:$0x2] =	stream.indirect_vreg.gather [hbm4b:s10+s3], $0x80, v2, vm0, $0xb8;
	[tilespmem:$0x19800] =	vst v63  }
0x8a: {  	v2 =	vld.msk [tilespmem:$0x408], $0xff;
	_ =	sdelay $0x4  }
0x8b: {  	v3 =	vshll.u32 v2, $0x2  }
0x8c: {  	v2 =	vand.u32 $0x7, v2;
	v3 =	vand.u32 $0xFFFFFFE0, v3  }
0x8d: {  	v2 =	vor.u32 v2, v3  }
0x8e: {  	v2 =	vperm.xlane v2, v0;
	_ =	sdelay $0x1  }
0x8f: {  	v2 =	vadd.s32 v1, v2;
	_ =	sdelay $0x3  }
0x90: {  	s28 =	simm.s32 $0x8800  }
0x91: {  	[tilespmem:s28], [sflag:$0x2] =	stream.indirect_vreg.gather [hbm4b:s1+s3], $0x80, v2, vm0, $0xb8;
	[tilespmem:$0x19800] =	vst v63  }
0x92: {  	s29 =	simm.s32 $0x9000  }
0x93: {  	[tilespmem:s29], [sflag:$0x2] =	stream.indirect_vreg.gather [hbm4b:s10+s3], $0x80, v2, vm0, $0xb8;
	[tilespmem:$0x19800] =	vst v63  }
0x94: {  	v2 =	vld.msk [tilespmem:$0x808], $0xff;
	_ =	sdelay $0x4  }
0x95: {  	v3 =	vshll.u32 v2, $0x2  }
0x96: {  	v2 =	vand.u32 $0x7, v2;
	v3 =	vand.u32 $0xFFFFFFE0, v3  }
0x97: {  	v2 =	vor.u32 v2, v3  }
0x98: {  	v2 =	vperm.xlane v2, v0;
	_ =	sdelay $0x1  }
0x99: {  	v2 =	vadd.s32 v1, v2;
	_ =	sdelay $0x3  }
0x9a: {  	s26 =	simm.s32 $0x9800  }
0x9b: {  	[tilespmem:s26], [sflag:$0x2] =	stream.indirect_vreg.gather [hbm4b:s1+s3], $0x80, v2, vm0, $0xb8;
	[tilespmem:$0x19800] =	vst v63  }
0x9c: {  	s28 =	simm.s32 $0xA000  }
0x9d: {  	[tilespmem:s28], [sflag:$0x2] =	stream.indirect_vreg.gather [hbm4b:s10+s3], $0x80, v2, vm0, $0xb8;
	[tilespmem:$0x19800] =	vst v63  }
0x9e: {  	v2 =	vld.msk [tilespmem:$0xC08], $0xff;
	_ =	sdelay $0x4  }
0x9f: {  	v3 =	vshll.u32 v2, $0x2  }
0xa0: {  	v2 =	vand.u32 $0x7, v2;
	v3 =	vand.u32 $0xFFFFFFE0, v3  }
0xa1: {  	v2 =	vor.u32 v2, v3  }
0xa2: {  	v2 =	vperm.xlane v2, v0;
	_ =	sdelay $0x1  }
0xa3: {  	v2 =	vadd.s32 v1, v2;
	_ =	sdelay $0x3  }
0xa4: {  	s29 =	simm.s32 $0xA800  }
0xa5: {  	[tilespmem:s29], [sflag:$0x2] =	stream.indirect_vreg.gather [hbm4b:s1+s3], $0x80, v2, vm0, $0xb8;
	[tilespmem:$0x19800] =	vst v63  }
0xa6: {  	s26 =	simm.s32 $0xB000  }
0xa7: {  	[tilespmem:s26], [sflag:$0x2] =	stream.indirect_vreg.gather [hbm4b:s10+s3], $0x80, v2, vm0, $0xb8;
	[tilespmem:$0x19800] =	vst v63  }
0xa8: {  	v2 =	vld.msk [tilespmem:$0x1008], $0xff;
	_ =	sdelay $0x4  }
0xa9: {  	v3 =	vshll.u32 v2, $0x2  }
0xaa: {  	v2 =	vand.u32 $0x7, v2;
	v3 =	vand.u32 $0xFFFFFFE0, v3  }
0xab: {  	v2 =	vor.u32 v2, v3  }
0xac: {  	v2 =	vperm.xlane v2, v0;
	_ =	sdelay $0x1  }
0xad: {  	v2 =	vadd.s32 v1, v2;
	_ =	sdelay $0x3  }
0xae: {  	s28 =	simm.s32 $0xB800  }
0xaf: {  	[tilespmem:s28], [sflag:$0x2] =	stream.indirect_vreg.gather [hbm4b:s1+s3], $0x80, v2, vm0, $0xb8;
	[tilespmem:$0x19800] =	vst v63  }
0xb0: {  	s29 =	simm.s32 $0xC000  }
0xb1: {  	[tilespmem:s29], [sflag:$0x2] =	stream.indirect_vreg.gather [hbm4b:s10+s3], $0x80, v2, vm0, $0xb8;
	[tilespmem:$0x19800] =	vst v63  }
0xb2: {  	v2 =	vld.msk [tilespmem:$0x1408], $0xff;
	_ =	sdelay $0x4  }
0xb3: {  	v3 =	vshll.u32 v2, $0x2  }
0xb4: {  	v2 =	vand.u32 $0x7, v2;
	v3 =	vand.u32 $0xFFFFFFE0, v3  }
0xb5: {  	v2 =	vor.u32 v2, v3  }
0xb6: {  	v2 =	vperm.xlane v2, v0;
	_ =	sdelay $0x1  }
0xb7: {  	v2 =	vadd.s32 v1, v2;
	_ =	sdelay $0x3  }
0xb8: {  	s26 =	simm.s32 $0xC800  }
0xb9: {  	[tilespmem:s26], [sflag:$0x2] =	stream.indirect_vreg.gather [hbm4b:s1+s3], $0x80, v2, vm0, $0xb8;
	[tilespmem:$0x19800] =	vst v63  }
0xba: {  	s28 =	simm.s32 $0xD000  }
0xbb: {  	[tilespmem:s28], [sflag:$0x2] =	stream.indirect_vreg.gather [hbm4b:s10+s3], $0x80, v2, vm0, $0xb8;
	[tilespmem:$0x19800] =	vst v63  }
0xbc: {  	v2 =	vld.msk [tilespmem:$0x10], $0xff;
	_ =	sdelay $0x4  }
0xbd: {  	v3 =	vshll.u32 v2, $0x2  }
0xbe: {  	v2 =	vand.u32 $0x7, v2;
	v3 =	vand.u32 $0xFFFFFFE0, v3  }
0xbf: {  	v2 =	vor.u32 v2, v3  }
0xc0: {  	v2 =	vperm.xlane v2, v0;
	_ =	sdelay $0x1  }
0xc1: {  	v2 =	vadd.s32 v1, v2;
	_ =	sdelay $0x4  }
0xc2: {  	[tilespmem:s9], [sflag:$0x3] =	stream.indirect_vreg.gather [hbm4b:s1+s3], $0x80, v2, vm0, $0xb8;
	[tilespmem:$0x19800] =	vst v63  }
0xc3: {  	s29 =	simm.s32 $0xE000  }
0xc4: {  	[tilespmem:s29], [sflag:$0x3] =	stream.indirect_vreg.gather [hbm4b:s10+s3], $0x80, v2, vm0, $0xb8;
	[tilespmem:$0x19800] =	vst v63  }
0xc5: {  	v2 =	vld.msk [tilespmem:$0x410], $0xff;
	_ =	sdelay $0x4  }
0xc6: {  	v3 =	vshll.u32 v2, $0x2  }
0xc7: {  	v2 =	vand.u32 $0x7, v2;
	v3 =	vand.u32 $0xFFFFFFE0, v3  }
0xc8: {  	v2 =	vor.u32 v2, v3  }
0xc9: {  	v2 =	vperm.xlane v2, v0;
	_ =	sdelay $0x1  }
0xca: {  	v2 =	vadd.s32 v1, v2;
	_ =	sdelay $0x3  }
0xcb: {  	s26 =	simm.s32 $0xE800  }
0xcc: {  	[tilespmem:s26], [sflag:$0x3] =	stream.indirect_vreg.gather [hbm4b:s1+s3], $0x80, v2, vm0, $0xb8;
	[tilespmem:$0x19800] =	vst v63  }
0xcd: {  	s28 =	simm.s32 $0xF000  }
0xce: {  	[tilespmem:s28], [sflag:$0x3] =	stream.indirect_vreg.gather [hbm4b:s10+s3], $0x80, v2, vm0, $0xb8;
	[tilespmem:$0x19800] =	vst v63  }
0xcf: {  	v2 =	vld.msk [tilespmem:$0x810], $0xff;
	_ =	sdelay $0x4  }
0xd0: {  	v3 =	vshll.u32 v2, $0x2  }
0xd1: {  	v2 =	vand.u32 $0x7, v2;
	v3 =	vand.u32 $0xFFFFFFE0, v3  }
0xd2: {  	v2 =	vor.u32 v2, v3  }
0xd3: {  	v2 =	vperm.xlane v2, v0;
	_ =	sdelay $0x1  }
0xd4: {  	v2 =	vadd.s32 v1, v2;
	_ =	sdelay $0x3  }
0xd5: {  	s29 =	simm.s32 $0xF800  }
0xd6: {  	[tilespmem:s29], [sflag:$0x3] =	stream.indirect_vreg.gather [hbm4b:s1+s3], $0x80, v2, vm0, $0xb8;
	[tilespmem:$0x19800] =	vst v63  }
0xd7: {  	s26 =	simm.s32 $0x10000  }
0xd8: {  	[tilespmem:s26], [sflag:$0x3] =	stream.indirect_vreg.gather [hbm4b:s10+s3], $0x80, v2, vm0, $0xb8;
	[tilespmem:$0x19800] =	vst v63  }
0xd9: {  	v2 =	vld.msk [tilespmem:$0xC10], $0xff;
	_ =	sdelay $0x4  }
0xda: {  	v3 =	vshll.u32 v2, $0x2  }
0xdb: {  	v2 =	vand.u32 $0x7, v2;
	v3 =	vand.u32 $0xFFFFFFE0, v3  }
0xdc: {  	v2 =	vor.u32 v2, v3  }
0xdd: {  	v2 =	vperm.xlane v2, v0;
	_ =	sdelay $0x1  }
0xde: {  	v2 =	vadd.s32 v1, v2;
	_ =	sdelay $0x3  }
0xdf: {  	s28 =	simm.s32 $0x10800  }
0xe0: {  	[tilespmem:s28], [sflag:$0x3] =	stream.indirect_vreg.gather [hbm4b:s1+s3], $0x80, v2, vm0, $0xb8;
	[tilespmem:$0x19800] =	vst v63  }
0xe1: {  	s29 =	simm.s32 $0x11000  }
0xe2: {  	[tilespmem:s29], [sflag:$0x3] =	stream.indirect_vreg.gather [hbm4b:s10+s3], $0x80, v2, vm0, $0xb8;
	[tilespmem:$0x19800] =	vst v63  }
0xe3: {  	v2 =	vld.msk [tilespmem:$0x1010], $0xff;
	_ =	sdelay $0x4  }
0xe4: {  	v3 =	vshll.u32 v2, $0x2  }
0xe5: {  	v2 =	vand.u32 $0x7, v2;
	v3 =	vand.u32 $0xFFFFFFE0, v3  }
0xe6: {  	v2 =	vor.u32 v2, v3  }
0xe7: {  	v2 =	vperm.xlane v2, v0;
	_ =	sdelay $0x1  }
0xe8: {  	v2 =	vadd.s32 v1, v2;
	_ =	sdelay $0x3  }
0xe9: {  	s26 =	simm.s32 $0x11800  }
0xea: {  	[tilespmem:s26], [sflag:$0x3] =	stream.indirect_vreg.gather [hbm4b:s1+s3], $0x80, v2, vm0, $0xb8;
	[tilespmem:$0x19800] =	vst v63  }
0xeb: {  	s28 =	simm.s32 $0x12000  }
0xec: {  	[tilespmem:s28], [sflag:$0x3] =	stream.indirect_vreg.gather [hbm4b:s10+s3], $0x80, v2, vm0, $0xb8;
	[tilespmem:$0x19800] =	vst v63  }
0xed: {  	v2 =	vld.msk [tilespmem:$0x1410], $0xff;
	_ =	sdelay $0x4  }
0xee: {  	v3 =	vshll.u32 v2, $0x2  }
0xef: {  	v2 =	vand.u32 $0x7, v2;
	v3 =	vand.u32 $0xFFFFFFE0, v3  }
0xf0: {  	v2 =	vor.u32 v2, v3  }
0xf1: {  	v2 =	vperm.xlane v2, v0;
	_ =	sdelay $0x1  }
0xf2: {  	v2 =	vadd.s32 v1, v2;
	_ =	sdelay $0x3  }
0xf3: {  	s29 =	simm.s32 $0x12800  }
0xf4: {  	[tilespmem:s29], [sflag:$0x3] =	stream.indirect_vreg.gather [hbm4b:s1+s3], $0x80, v2, vm0, $0xb8;
	[tilespmem:$0x19800] =	vst v63  }
0xf5: {  	s25 =	simm.s32 $0xC18;
	s26 =	simm.s32 $0x0  }
0xf6: {  	[tilespmem:s30], [sflag:$0x3] =	stream.indirect_vreg.gather [hbm4b:s10+s3], $0x80, v2, vm0, $0xb8;
	[tilespmem:$0x19800] =	vst v63  }
.LBB2_2:
0xf7: {  	_ =	swait.ge [sflag:s31], $0x1000  }
0xf8: {  	[sflag:s31] =	ssyncset.done $0x0  }
0xf9: {  	[sflag:s31] =	ssyncadd.s32 $0xFFFFF000  }
0xfa: {  	_ =	swait.ge [sflag:s31], $0x1000  }
0xfb: {  	[sflag:s31] =	ssyncset.done $0x0  }
0xfc: {  	[sflag:s31] =	ssyncadd.s32 $0xFFFFF000  }
0xfd: {  	_ =	swait.ge [sflag:s31], $0x1000  }
0xfe: {  	[sflag:s31] =	ssyncset.done $0x0  }
0xff: {  	[sflag:s31] =	ssyncadd.s32 $0xFFFFF000  }
0x100: {  	_ =	swait.ge [sflag:s31], $0x1000  }
0x101: {  	[sflag:s31] =	ssyncset.done $0x0  }
0x102: {  	[sflag:s31] =	ssyncadd.s32 $0xFFFFF000  }
0x103: {  	_ =	swait.ge [sflag:s31], $0x1000  }
0x104: {  	[sflag:s31] =	ssyncset.done $0x0  }
0x105: {  	[sflag:s31] =	ssyncadd.s32 $0xFFFFF000  }
0x106: {  	_ =	swait.ge [sflag:s31], $0x1000  }
0x107: {  	p0 =	seq.s32 s26, $0x0;
	[sflag:s31] =	ssyncset.done $0x0  }
0x108: {  	s28 =	sadd.s32 s26, s12;
	s29 =	simm.s32 @!p0 $0x8;
	[sflag:s31] =	ssyncadd.s32 $0xFFFFF000  }
0x109: {  	[hbm4b:s28+s3] =	stream.linear.scatter [tilespmem:s19], [sflag:$0x5], $0x6000, $0x38;
	[tilespmem:$0x19800] =	vst v63  }
0x10a: {  	_ =	swait.ge @!p0 [sflag:s29], $0x6000  }
0x10b: {  	[sflag:s29] =	ssyncset.done @!p0 $0x0  }
0x10c: {  	[sflag:s29] =	ssyncadd.s32 @!p0 $0xFFFFA000  }
0x10d: {  	v2 =	vld.msk [tilespmem:s25+$0xFFFFF400], $0xff;
	_ =	sdelay $0x4  }
0x10e: {  	v3 =	vshll.u32 v2, $0x2  }
0x10f: {  	v2 =	vand.u32 $0x7, v2;
	v3 =	vand.u32 $0xFFFFFFE0, v3  }
0x110: {  	v2 =	vor.u32 v2, v3  }
0x111: {  	v2 =	vperm.xlane v2, v0;
	_ =	sdelay $0x1  }
0x112: {  	v2 =	vadd.s32 v1, v2;
	_ =	sdelay $0x4  }
0x113: {  	[tilespmem:s2], [sflag:$0x4] =	stream.indirect_vreg.gather [hbm4b:s1+s3], $0x80, v2, vm0, $0xb8;
	[tilespmem:$0x19800] =	vst v63  }
0x114: {  	_ = 	snop  }
0x115: {  	[tilespmem:s14], [sflag:$0x4] =	stream.indirect_vreg.gather [hbm4b:s10+s3], $0x80, v2, vm0, $0xb8;
	[tilespmem:$0x19800] =	vst v63  }
0x116: {  	v2 =	vld.msk [tilespmem:s25+$0xFFFFF800], $0xff;
	_ =	sdelay $0x4  }
0x117: {  	v3 =	vshll.u32 v2, $0x2  }
0x118: {  	v2 =	vand.u32 $0x7, v2;
	v3 =	vand.u32 $0xFFFFFFE0, v3  }
0x119: {  	v2 =	vor.u32 v2, v3  }
0x11a: {  	v2 =	vperm.xlane v2, v0;
	_ =	sdelay $0x1  }
0x11b: {  	v2 =	vadd.s32 v1, v2;
	_ =	sdelay $0x4  }
0x11c: {  	[tilespmem:s15], [sflag:$0x4] =	stream.indirect_vreg.gather [hbm4b:s1+s3], $0x80, v2, vm0, $0xb8;
	[tilespmem:$0x19800] =	vst v63  }
0x11d: {  	_ = 	snop  }
0x11e: {  	[tilespmem:s16], [sflag:$0x4] =	stream.indirect_vreg.gather [hbm4b:s10+s3], $0x80, v2, vm0, $0xb8;
	[tilespmem:$0x19800] =	vst v63  }
0x11f: {  	v2 =	vld.msk [tilespmem:s25+$0xFFFFFC00], $0xff;
	_ =	sdelay $0x4  }
0x120: {  	v3 =	vshll.u32 v2, $0x2  }
0x121: {  	v2 =	vand.u32 $0x7, v2;
	v3 =	vand.u32 $0xFFFFFFE0, v3  }
0x122: {  	v2 =	vor.u32 v2, v3  }
0x123: {  	v2 =	vperm.xlane v2, v0;
	_ =	sdelay $0x1  }
0x124: {  	v2 =	vadd.s32 v1, v2;
	_ =	sdelay $0x4  }
0x125: {  	[tilespmem:s17], [sflag:$0x4] =	stream.indirect_vreg.gather [hbm4b:s1+s3], $0x80, v2, vm0, $0xb8;
	[tilespmem:$0x19800] =	vst v63  }
0x126: {  	_ = 	snop  }
0x127: {  	[tilespmem:s18], [sflag:$0x4] =	stream.indirect_vreg.gather [hbm4b:s10+s3], $0x80, v2, vm0, $0xb8;
	[tilespmem:$0x19800] =	vst v63  }
0x128: {  	v2 =	vld.msk [tilespmem:s25+$0x0], $0xff;
	_ =	sdelay $0x4  }
0x129: {  	v3 =	vshll.u32 v2, $0x2  }
0x12a: {  	v2 =	vand.u32 $0x7, v2;
	v3 =	vand.u32 $0xFFFFFFE0, v3  }
0x12b: {  	v2 =	vor.u32 v2, v3  }
0x12c: {  	v2 =	vperm.xlane v2, v0;
	_ =	sdelay $0x1  }
0x12d: {  	v2 =	vadd.s32 v1, v2;
	_ =	sdelay $0x4  }
0x12e: {  	[tilespmem:s4], [sflag:$0x4] =	stream.indirect_vreg.gather [hbm4b:s1+s3], $0x80, v2, vm0, $0xb8;
	[tilespmem:$0x19800] =	vst v63  }
0x12f: {  	_ = 	snop  }
0x130: {  	[tilespmem:s5], [sflag:$0x4] =	stream.indirect_vreg.gather [hbm4b:s10+s3], $0x80, v2, vm0, $0xb8;
	[tilespmem:$0x19800] =	vst v63  }
0x131: {  	v2 =	vld.msk [tilespmem:s25+$0x400], $0xff;
	_ =	sdelay $0x4  }
0x132: {  	v3 =	vshll.u32 v2, $0x2  }
0x133: {  	v2 =	vand.u32 $0x7, v2;
	v3 =	vand.u32 $0xFFFFFFE0, v3  }
0x134: {  	v2 =	vor.u32 v2, v3  }
0x135: {  	v2 =	vperm.xlane v2, v0;
	_ =	sdelay $0x1  }
0x136: {  	v2 =	vadd.s32 v1, v2;
	_ =	sdelay $0x4  }
0x137: {  	[tilespmem:s6], [sflag:$0x4] =	stream.indirect_vreg.gather [hbm4b:s1+s3], $0x80, v2, vm0, $0xb8;
	[tilespmem:$0x19800] =	vst v63  }
0x138: {  	_ = 	snop  }
0x139: {  	[tilespmem:s7], [sflag:$0x4] =	stream.indirect_vreg.gather [hbm4b:s10+s3], $0x80, v2, vm0, $0xb8;
	[tilespmem:$0x19800] =	vst v63  }
0x13a: {  	v2 =	vld.msk [tilespmem:s25+$0x800], $0xff;
	_ =	sdelay $0x4  }
0x13b: {  	v3 =	vshll.u32 v2, $0x2  }
0x13c: {  	v2 =	vand.u32 $0x7, v2;
	v3 =	vand.u32 $0xFFFFFFE0, v3  }
0x13d: {  	v2 =	vor.u32 v2, v3  }
0x13e: {  	v2 =	vperm.xlane v2, v0;
	_ =	sdelay $0x1  }
0x13f: {  	v2 =	vadd.s32 v1, v2;
	_ =	sdelay $0x4  }
0x140: {  	[tilespmem:s8], [sflag:$0x4] =	stream.indirect_vreg.gather [hbm4b:s1+s3], $0x80, v2, vm0, $0xb8;
	[tilespmem:$0x19800] =	vst v63  }
0x141: {  	_ = 	snop  }
0x142: {  	[tilespmem:s13], [sflag:$0x4] =	stream.indirect_vreg.gather [hbm4b:s10+s3], $0x80, v2, vm0, $0xb8;
	[tilespmem:$0x19800] =	vst v63  }
0x143: {  	_ =	swait.ge [sflag:s11], $0x1000  }
0x144: {  	[sflag:s11] =	ssyncset.done $0x0  }
0x145: {  	[sflag:s11] =	ssyncadd.s32 $0xFFFFF000  }
0x146: {  	_ =	swait.ge [sflag:s11], $0x1000  }
0x147: {  	[sflag:s11] =	ssyncset.done $0x0  }
0x148: {  	[sflag:s11] =	ssyncadd.s32 $0xFFFFF000  }
0x149: {  	_ =	swait.ge [sflag:s11], $0x1000  }
0x14a: {  	[sflag:s11] =	ssyncset.done $0x0  }
0x14b: {  	[sflag:s11] =	ssyncadd.s32 $0xFFFFF000  }
0x14c: {  	_ =	swait.ge [sflag:s11], $0x1000  }
0x14d: {  	[sflag:s11] =	ssyncset.done $0x0  }
0x14e: {  	[sflag:s11] =	ssyncadd.s32 $0xFFFFF000  }
0x14f: {  	_ =	swait.ge [sflag:s11], $0x1000  }
0x150: {  	p0 =	seq.s32 s26, $0x6C800;
	[sflag:s11] =	ssyncset.done $0x0  }
.Ltmp2:
0x151: {  	[sflag:s11] =	ssyncadd.s32 $0xFFFFF000;
	(pc) =	sbr.rel @p0 .LBB2_4-.Ltmp2, $4  }
0x152: {  	_ =	swait.ge [sflag:s11], $0x1000  }
0x153: {  	[sflag:s11] =	ssyncset.done $0x0  }
0x154: {  	s29 =	sadd.s32 $0xE00, s28;
	[sflag:s11] =	ssyncadd.s32 $0xFFFFF000  }
0x155: {  	[hbm4b:s29+s3] =	stream.linear.scatter [tilespmem:s0], [sflag:$0x6], $0x6000, $0x38;
	[tilespmem:$0x19800] =	vst v63  }
0x156: {  	_ =	swait.ge [sflag:s22], $0x6000  }
0x157: {  	[sflag:s22] =	ssyncset.done $0x0  }
0x158: {  	[sflag:s22] =	ssyncadd.s32 $0xFFFFA000  }
0x159: {  	v2 =	vld.msk [tilespmem:s25+$0xFFFFF408], $0xff;
	_ =	sdelay $0x4  }
0x15a: {  	v3 =	vshll.u32 v2, $0x2  }
0x15b: {  	v2 =	vand.u32 $0x7, v2;
	v3 =	vand.u32 $0xFFFFFFE0, v3  }
0x15c: {  	v2 =	vor.u32 v2, v3  }
0x15d: {  	v2 =	vperm.xlane v2, v0;
	_ =	sdelay $0x1  }
0x15e: {  	v2 =	vadd.s32 v1, v2;
	_ =	sdelay $0x4  }
0x15f: {  	[tilespmem:s19], [sflag:$0x1] =	stream.indirect_vreg.gather [hbm4b:s1+s3], $0x80, v2, vm0, $0xb8;
	[tilespmem:$0x19800] =	vst v63  }
0x160: {  	s29 =	simm.s32 $0x2000  }
0x161: {  	[tilespmem:s29], [sflag:$0x1] =	stream.indirect_vreg.gather [hbm4b:s10+s3], $0x80, v2, vm0, $0xb8;
	[tilespmem:$0x19800] =	vst v63  }
0x162: {  	v2 =	vld.msk [tilespmem:s25+$0xFFFFF808], $0xff;
	_ =	sdelay $0x4  }
0x163: {  	v3 =	vshll.u32 v2, $0x2  }
0x164: {  	v2 =	vand.u32 $0x7, v2;
	v3 =	vand.u32 $0xFFFFFFE0, v3  }
0x165: {  	v2 =	vor.u32 v2, v3  }
0x166: {  	v2 =	vperm.xlane v2, v0;
	_ =	sdelay $0x1  }
0x167: {  	v2 =	vadd.s32 v1, v2;
	_ =	sdelay $0x3  }
0x168: {  	s29 =	simm.s32 $0x2800  }
0x169: {  	[tilespmem:s29], [sflag:$0x1] =	stream.indirect_vreg.gather [hbm4b:s1+s3], $0x80, v2, vm0, $0xb8;
	[tilespmem:$0x19800] =	vst v63  }
0x16a: {  	s29 =	simm.s32 $0x3000  }
0x16b: {  	[tilespmem:s29], [sflag:$0x1] =	stream.indirect_vreg.gather [hbm4b:s10+s3], $0x80, v2, vm0, $0xb8;
	[tilespmem:$0x19800] =	vst v63  }
0x16c: {  	v2 =	vld.msk [tilespmem:s25+$0xFFFFFC08], $0xff;
	_ =	sdelay $0x4  }
0x16d: {  	v3 =	vshll.u32 v2, $0x2  }
0x16e: {  	v2 =	vand.u32 $0x7, v2;
	v3 =	vand.u32 $0xFFFFFFE0, v3  }
0x16f: {  	v2 =	vor.u32 v2, v3  }
0x170: {  	v2 =	vperm.xlane v2, v0;
	_ =	sdelay $0x1  }
0x171: {  	v2 =	vadd.s32 v1, v2;
	_ =	sdelay $0x3  }
0x172: {  	s29 =	simm.s32 $0x3800  }
0x173: {  	[tilespmem:s29], [sflag:$0x1] =	stream.indirect_vreg.gather [hbm4b:s1+s3], $0x80, v2, vm0, $0xb8;
	[tilespmem:$0x19800] =	vst v63  }
0x174: {  	s29 =	simm.s32 $0x4000  }
0x175: {  	[tilespmem:s29], [sflag:$0x1] =	stream.indirect_vreg.gather [hbm4b:s10+s3], $0x80, v2, vm0, $0xb8;
	[tilespmem:$0x19800] =	vst v63  }
0x176: {  	v2 =	vld.msk [tilespmem:s25+$0x8], $0xff;
	_ =	sdelay $0x4  }
0x177: {  	v3 =	vshll.u32 v2, $0x2  }
0x178: {  	v2 =	vand.u32 $0x7, v2;
	v3 =	vand.u32 $0xFFFFFFE0, v3  }
0x179: {  	v2 =	vor.u32 v2, v3  }
0x17a: {  	v2 =	vperm.xlane v2, v0;
	_ =	sdelay $0x1  }
0x17b: {  	v2 =	vadd.s32 v1, v2;
	_ =	sdelay $0x3  }
0x17c: {  	s29 =	simm.s32 $0x4800  }
0x17d: {  	[tilespmem:s29], [sflag:$0x1] =	stream.indirect_vreg.gather [hbm4b:s1+s3], $0x80, v2, vm0, $0xb8;
	[tilespmem:$0x19800] =	vst v63  }
0x17e: {  	s29 =	simm.s32 $0x5000  }
0x17f: {  	[tilespmem:s29], [sflag:$0x1] =	stream.indirect_vreg.gather [hbm4b:s10+s3], $0x80, v2, vm0, $0xb8;
	[tilespmem:$0x19800] =	vst v63  }
0x180: {  	v2 =	vld.msk [tilespmem:s25+$0x408], $0xff;
	_ =	sdelay $0x4  }
0x181: {  	v3 =	vshll.u32 v2, $0x2  }
0x182: {  	v2 =	vand.u32 $0x7, v2;
	v3 =	vand.u32 $0xFFFFFFE0, v3  }
0x183: {  	v2 =	vor.u32 v2, v3  }
0x184: {  	v2 =	vperm.xlane v2, v0;
	_ =	sdelay $0x1  }
0x185: {  	v2 =	vadd.s32 v1, v2;
	_ =	sdelay $0x3  }
0x186: {  	s29 =	simm.s32 $0x5800  }
0x187: {  	[tilespmem:s29], [sflag:$0x1] =	stream.indirect_vreg.gather [hbm4b:s1+s3], $0x80, v2, vm0, $0xb8;
	[tilespmem:$0x19800] =	vst v63  }
0x188: {  	s29 =	simm.s32 $0x6000  }
0x189: {  	[tilespmem:s29], [sflag:$0x1] =	stream.indirect_vreg.gather [hbm4b:s10+s3], $0x80, v2, vm0, $0xb8;
	[tilespmem:$0x19800] =	vst v63  }
0x18a: {  	v2 =	vld.msk [tilespmem:s25+$0x808], $0xff;
	_ =	sdelay $0x4  }
0x18b: {  	v3 =	vshll.u32 v2, $0x2  }
0x18c: {  	v2 =	vand.u32 $0x7, v2;
	v3 =	vand.u32 $0xFFFFFFE0, v3  }
0x18d: {  	v2 =	vor.u32 v2, v3  }
0x18e: {  	v2 =	vperm.xlane v2, v0;
	_ =	sdelay $0x1  }
0x18f: {  	v2 =	vadd.s32 v1, v2;
	_ =	sdelay $0x3  }
0x190: {  	s29 =	simm.s32 $0x6800  }
0x191: {  	[tilespmem:s29], [sflag:$0x1] =	stream.indirect_vreg.gather [hbm4b:s1+s3], $0x80, v2, vm0, $0xb8;
	[tilespmem:$0x19800] =	vst v63  }
0x192: {  	s29 =	simm.s32 $0x7000  }
0x193: {  	[tilespmem:s29], [sflag:$0x1] =	stream.indirect_vreg.gather [hbm4b:s10+s3], $0x80, v2, vm0, $0xb8;
	[tilespmem:$0x19800] =	vst v63  }
.LBB2_4:
0x194: {  	_ =	swait.ge [sflag:s20], $0x1000  }
0x195: {  	[sflag:s20] =	ssyncset.done $0x0  }
0x196: {  	[sflag:s20] =	ssyncadd.s32 $0xFFFFF000  }
0x197: {  	_ =	swait.ge [sflag:s20], $0x1000  }
0x198: {  	[sflag:s20] =	ssyncset.done $0x0  }
0x199: {  	[sflag:s20] =	ssyncadd.s32 $0xFFFFF000  }
0x19a: {  	_ =	swait.ge [sflag:s20], $0x1000  }
0x19b: {  	[sflag:s20] =	ssyncset.done $0x0  }
0x19c: {  	[sflag:s20] =	ssyncadd.s32 $0xFFFFF000  }
0x19d: {  	_ =	swait.ge [sflag:s20], $0x1000  }
0x19e: {  	[sflag:s20] =	ssyncset.done $0x0  }
0x19f: {  	[sflag:s20] =	ssyncadd.s32 $0xFFFFF000  }
0x1a0: {  	_ =	swait.ge [sflag:s20], $0x1000  }
0x1a1: {  	[sflag:s20] =	ssyncset.done $0x0  }
.Ltmp3:
0x1a2: {  	[sflag:s20] =	ssyncadd.s32 $0xFFFFF000;
	(pc) =	sbr.rel @p0 .LBB2_6-.Ltmp3, $4  }
0x1a3: {  	_ =	swait.ge [sflag:s20], $0x1000  }
0x1a4: {  	[sflag:s20] =	ssyncset.done $0x0  }
0x1a5: {  	s29 =	sadd.s32 $0x1C00, s28;
	[sflag:s20] =	ssyncadd.s32 $0xFFFFF000  }
0x1a6: {  	[hbm4b:s29+s3] =	stream.linear.scatter [tilespmem:s9], [sflag:$0x7], $0x6000, $0x38;
	[tilespmem:$0x19800] =	vst v63  }
0x1a7: {  	_ =	swait.ge [sflag:s23], $0x6000  }
0x1a8: {  	[sflag:s23] =	ssyncset.done $0x0  }
0x1a9: {  	[sflag:s23] =	ssyncadd.s32 $0xFFFFA000  }
0x1aa: {  	v2 =	vld.msk [tilespmem:s25+$0xFFFFF410], $0xff;
	_ =	sdelay $0x4  }
0x1ab: {  	v3 =	vshll.u32 v2, $0x2  }
0x1ac: {  	v2 =	vand.u32 $0x7, v2;
	v3 =	vand.u32 $0xFFFFFFE0, v3  }
0x1ad: {  	v2 =	vor.u32 v2, v3  }
0x1ae: {  	v2 =	vperm.xlane v2, v0;
	_ =	sdelay $0x1  }
0x1af: {  	v2 =	vadd.s32 v1, v2;
	_ =	sdelay $0x4  }
0x1b0: {  	[tilespmem:s0], [sflag:$0x2] =	stream.indirect_vreg.gather [hbm4b:s1+s3], $0x80, v2, vm0, $0xb8;
	[tilespmem:$0x19800] =	vst v63  }
0x1b1: {  	s29 =	simm.s32 $0x8000  }
0x1b2: {  	[tilespmem:s29], [sflag:$0x2] =	stream.indirect_vreg.gather [hbm4b:s10+s3], $0x80, v2, vm0, $0xb8;
	[tilespmem:$0x19800] =	vst v63  }
0x1b3: {  	v2 =	vld.msk [tilespmem:s25+$0xFFFFF810], $0xff;
	_ =	sdelay $0x4  }
0x1b4: {  	v3 =	vshll.u32 v2, $0x2  }
0x1b5: {  	v2 =	vand.u32 $0x7, v2;
	v3 =	vand.u32 $0xFFFFFFE0, v3  }
0x1b6: {  	v2 =	vor.u32 v2, v3  }
0x1b7: {  	v2 =	vperm.xlane v2, v0;
	_ =	sdelay $0x1  }
0x1b8: {  	v2 =	vadd.s32 v1, v2;
	_ =	sdelay $0x3  }
0x1b9: {  	s29 =	simm.s32 $0x8800  }
0x1ba: {  	[tilespmem:s29], [sflag:$0x2] =	stream.indirect_vreg.gather [hbm4b:s1+s3], $0x80, v2, vm0, $0xb8;
	[tilespmem:$0x19800] =	vst v63  }
0x1bb: {  	s29 =	simm.s32 $0x9000  }
0x1bc: {  	[tilespmem:s29], [sflag:$0x2] =	stream.indirect_vreg.gather [hbm4b:s10+s3], $0x80, v2, vm0, $0xb8;
	[tilespmem:$0x19800] =	vst v63  }
0x1bd: {  	v2 =	vld.msk [tilespmem:s25+$0xFFFFFC10], $0xff;
	_ =	sdelay $0x4  }
0x1be: {  	v3 =	vshll.u32 v2, $0x2  }
0x1bf: {  	v2 =	vand.u32 $0x7, v2;
	v3 =	vand.u32 $0xFFFFFFE0, v3  }
0x1c0: {  	v2 =	vor.u32 v2, v3  }
0x1c1: {  	v2 =	vperm.xlane v2, v0;
	_ =	sdelay $0x1  }
0x1c2: {  	v2 =	vadd.s32 v1, v2;
	_ =	sdelay $0x3  }
0x1c3: {  	s29 =	simm.s32 $0x9800  }
0x1c4: {  	[tilespmem:s29], [sflag:$0x2] =	stream.indirect_vreg.gather [hbm4b:s1+s3], $0x80, v2, vm0, $0xb8;
	[tilespmem:$0x19800] =	vst v63  }
0x1c5: {  	s29 =	simm.s32 $0xA000  }
0x1c6: {  	[tilespmem:s29], [sflag:$0x2] =	stream.indirect_vreg.gather [hbm4b:s10+s3], $0x80, v2, vm0, $0xb8;
	[tilespmem:$0x19800] =	vst v63  }
0x1c7: {  	v2 =	vld.msk [tilespmem:s25+$0x10], $0xff;
	_ =	sdelay $0x4  }
0x1c8: {  	v3 =	vshll.u32 v2, $0x2  }
0x1c9: {  	v2 =	vand.u32 $0x7, v2;
	v3 =	vand.u32 $0xFFFFFFE0, v3  }
0x1ca: {  	v2 =	vor.u32 v2, v3  }
0x1cb: {  	v2 =	vperm.xlane v2, v0;
	_ =	sdelay $0x1  }
0x1cc: {  	v2 =	vadd.s32 v1, v2;
	_ =	sdelay $0x3  }
0x1cd: {  	s29 =	simm.s32 $0xA800  }
0x1ce: {  	[tilespmem:s29], [sflag:$0x2] =	stream.indirect_vreg.gather [hbm4b:s1+s3], $0x80, v2, vm0, $0xb8;
	[tilespmem:$0x19800] =	vst v63  }
0x1cf: {  	s29 =	simm.s32 $0xB000  }
0x1d0: {  	[tilespmem:s29], [sflag:$0x2] =	stream.indirect_vreg.gather [hbm4b:s10+s3], $0x80, v2, vm0, $0xb8;
	[tilespmem:$0x19800] =	vst v63  }
0x1d1: {  	v2 =	vld.msk [tilespmem:s25+$0x410], $0xff;
	_ =	sdelay $0x4  }
0x1d2: {  	v3 =	vshll.u32 v2, $0x2  }
0x1d3: {  	v2 =	vand.u32 $0x7, v2;
	v3 =	vand.u32 $0xFFFFFFE0, v3  }
0x1d4: {  	v2 =	vor.u32 v2, v3  }
0x1d5: {  	v2 =	vperm.xlane v2, v0;
	_ =	sdelay $0x1  }
0x1d6: {  	v2 =	vadd.s32 v1, v2;
	_ =	sdelay $0x3  }
0x1d7: {  	s29 =	simm.s32 $0xB800  }
0x1d8: {  	[tilespmem:s29], [sflag:$0x2] =	stream.indirect_vreg.gather [hbm4b:s1+s3], $0x80, v2, vm0, $0xb8;
	[tilespmem:$0x19800] =	vst v63  }
0x1d9: {  	s29 =	simm.s32 $0xC000  }
0x1da: {  	[tilespmem:s29], [sflag:$0x2] =	stream.indirect_vreg.gather [hbm4b:s10+s3], $0x80, v2, vm0, $0xb8;
	[tilespmem:$0x19800] =	vst v63  }
0x1db: {  	v2 =	vld.msk [tilespmem:s25+$0x810], $0xff;
	_ =	sdelay $0x4  }
0x1dc: {  	v3 =	vshll.u32 v2, $0x2  }
0x1dd: {  	v2 =	vand.u32 $0x7, v2;
	v3 =	vand.u32 $0xFFFFFFE0, v3  }
0x1de: {  	v2 =	vor.u32 v2, v3  }
0x1df: {  	v2 =	vperm.xlane v2, v0;
	_ =	sdelay $0x1  }
0x1e0: {  	v2 =	vadd.s32 v1, v2;
	_ =	sdelay $0x3  }
0x1e1: {  	s29 =	simm.s32 $0xC800  }
0x1e2: {  	[tilespmem:s29], [sflag:$0x2] =	stream.indirect_vreg.gather [hbm4b:s1+s3], $0x80, v2, vm0, $0xb8;
	[tilespmem:$0x19800] =	vst v63  }
0x1e3: {  	s29 =	simm.s32 $0xD000  }
0x1e4: {  	[tilespmem:s29], [sflag:$0x2] =	stream.indirect_vreg.gather [hbm4b:s10+s3], $0x80, v2, vm0, $0xb8;
	[tilespmem:$0x19800] =	vst v63  }
.LBB2_6:
0x1e5: {  	_ =	swait.ge [sflag:s21], $0x1000  }
0x1e6: {  	[sflag:s21] =	ssyncset.done $0x0  }
0x1e7: {  	[sflag:s21] =	ssyncadd.s32 $0xFFFFF000  }
0x1e8: {  	_ =	swait.ge [sflag:s21], $0x1000  }
0x1e9: {  	[sflag:s21] =	ssyncset.done $0x0  }
0x1ea: {  	[sflag:s21] =	ssyncadd.s32 $0xFFFFF000  }
0x1eb: {  	_ =	swait.ge [sflag:s21], $0x1000  }
0x1ec: {  	[sflag:s21] =	ssyncset.done $0x0  }
0x1ed: {  	[sflag:s21] =	ssyncadd.s32 $0xFFFFF000  }
0x1ee: {  	_ =	swait.ge [sflag:s21], $0x1000  }
0x1ef: {  	[sflag:s21] =	ssyncset.done $0x0  }
0x1f0: {  	[sflag:s21] =	ssyncadd.s32 $0xFFFFF000  }
0x1f1: {  	_ =	swait.ge [sflag:s21], $0x1000  }
0x1f2: {  	[sflag:s21] =	ssyncset.done $0x0  }
.Ltmp4:
0x1f3: {  	[sflag:s21] =	ssyncadd.s32 $0xFFFFF000;
	(pc) =	sbr.rel @p0 .LBB2_8-.Ltmp4, $4  }
0x1f4: {  	_ =	swait.ge [sflag:s21], $0x1000  }
0x1f5: {  	[sflag:s21] =	ssyncset.done $0x0  }
0x1f6: {  	s28 =	sadd.s32 $0x2A00, s28;
	[sflag:s21] =	ssyncadd.s32 $0xFFFFF000  }
0x1f7: {  	[hbm4b:s28+s3] =	stream.linear.scatter [tilespmem:s2], [sflag:$0x8], $0x6000, $0x38;
	[tilespmem:$0x19800] =	vst v63  }
0x1f8: {  	_ =	swait.ge [sflag:s24], $0x6000  }
0x1f9: {  	[sflag:s24] =	ssyncset.done $0x0  }
0x1fa: {  	[sflag:s24] =	ssyncadd.s32 $0xFFFFA000  }
0x1fb: {  	v2 =	vld.msk [tilespmem:s25+$0xFFFFF418], $0xff;
	_ =	sdelay $0x4  }
0x1fc: {  	v3 =	vshll.u32 v2, $0x2  }
0x1fd: {  	v2 =	vand.u32 $0x7, v2;
	v3 =	vand.u32 $0xFFFFFFE0, v3  }
0x1fe: {  	v2 =	vor.u32 v2, v3  }
0x1ff: {  	v2 =	vperm.xlane v2, v0;
	_ =	sdelay $0x1  }
0x200: {  	v2 =	vadd.s32 v1, v2;
	_ =	sdelay $0x4  }
0x201: {  	[tilespmem:s9], [sflag:$0x3] =	stream.indirect_vreg.gather [hbm4b:s1+s3], $0x80, v2, vm0, $0xb8;
	[tilespmem:$0x19800] =	vst v63  }
0x202: {  	s28 =	simm.s32 $0xE000  }
0x203: {  	[tilespmem:s28], [sflag:$0x3] =	stream.indirect_vreg.gather [hbm4b:s10+s3], $0x80, v2, vm0, $0xb8;
	[tilespmem:$0x19800] =	vst v63  }
0x204: {  	v2 =	vld.msk [tilespmem:s25+$0xFFFFF818], $0xff;
	_ =	sdelay $0x4  }
0x205: {  	v3 =	vshll.u32 v2, $0x2  }
0x206: {  	v2 =	vand.u32 $0x7, v2;
	v3 =	vand.u32 $0xFFFFFFE0, v3  }
0x207: {  	v2 =	vor.u32 v2, v3  }
0x208: {  	v2 =	vperm.xlane v2, v0;
	_ =	sdelay $0x1  }
0x209: {  	v2 =	vadd.s32 v1, v2;
	_ =	sdelay $0x3  }
0x20a: {  	s29 =	simm.s32 $0xE800  }
0x20b: {  	[tilespmem:s29], [sflag:$0x3] =	stream.indirect_vreg.gather [hbm4b:s1+s3], $0x80, v2, vm0, $0xb8;
	[tilespmem:$0x19800] =	vst v63  }
0x20c: {  	s29 =	simm.s32 $0xF000  }
0x20d: {  	[tilespmem:s29], [sflag:$0x3] =	stream.indirect_vreg.gather [hbm4b:s10+s3], $0x80, v2, vm0, $0xb8;
	[tilespmem:$0x19800] =	vst v63  }
0x20e: {  	v2 =	vld.msk [tilespmem:s25+$0xFFFFFC18], $0xff;
	_ =	sdelay $0x4  }
0x20f: {  	v3 =	vshll.u32 v2, $0x2  }
0x210: {  	v2 =	vand.u32 $0x7, v2;
	v3 =	vand.u32 $0xFFFFFFE0, v3  }
0x211: {  	v2 =	vor.u32 v2, v3  }
0x212: {  	v2 =	vperm.xlane v2, v0;
	_ =	sdelay $0x1  }
0x213: {  	v2 =	vadd.s32 v1, v2;
	_ =	sdelay $0x3  }
0x214: {  	s29 =	simm.s32 $0xF800  }
0x215: {  	[tilespmem:s29], [sflag:$0x3] =	stream.indirect_vreg.gather [hbm4b:s1+s3], $0x80, v2, vm0, $0xb8;
	[tilespmem:$0x19800] =	vst v63  }
0x216: {  	s29 =	simm.s32 $0x10000  }
0x217: {  	[tilespmem:s29], [sflag:$0x3] =	stream.indirect_vreg.gather [hbm4b:s10+s3], $0x80, v2, vm0, $0xb8;
	[tilespmem:$0x19800] =	vst v63  }
0x218: {  	v2 =	vld.msk [tilespmem:s25+$0x18], $0xff;
	_ =	sdelay $0x4  }
0x219: {  	v3 =	vshll.u32 v2, $0x2  }
0x21a: {  	v2 =	vand.u32 $0x7, v2;
	v3 =	vand.u32 $0xFFFFFFE0, v3  }
0x21b: {  	v2 =	vor.u32 v2, v3  }
0x21c: {  	v2 =	vperm.xlane v2, v0;
	_ =	sdelay $0x1  }
0x21d: {  	v2 =	vadd.s32 v1, v2;
	_ =	sdelay $0x3  }
0x21e: {  	s29 =	simm.s32 $0x10800  }
0x21f: {  	[tilespmem:s29], [sflag:$0x3] =	stream.indirect_vreg.gather [hbm4b:s1+s3], $0x80, v2, vm0, $0xb8;
	[tilespmem:$0x19800] =	vst v63  }
0x220: {  	s29 =	simm.s32 $0x11000  }
0x221: {  	[tilespmem:s29], [sflag:$0x3] =	stream.indirect_vreg.gather [hbm4b:s10+s3], $0x80, v2, vm0, $0xb8;
	[tilespmem:$0x19800] =	vst v63  }
0x222: {  	v2 =	vld.msk [tilespmem:s25+$0x418], $0xff;
	_ =	sdelay $0x4  }
0x223: {  	v3 =	vshll.u32 v2, $0x2  }
0x224: {  	v2 =	vand.u32 $0x7, v2;
	v3 =	vand.u32 $0xFFFFFFE0, v3  }
0x225: {  	v2 =	vor.u32 v2, v3  }
0x226: {  	v2 =	vperm.xlane v2, v0;
	_ =	sdelay $0x1  }
0x227: {  	v2 =	vadd.s32 v1, v2;
	_ =	sdelay $0x3  }
0x228: {  	s29 =	simm.s32 $0x11800  }
0x229: {  	[tilespmem:s29], [sflag:$0x3] =	stream.indirect_vreg.gather [hbm4b:s1+s3], $0x80, v2, vm0, $0xb8;
	[tilespmem:$0x19800] =	vst v63  }
0x22a: {  	s29 =	simm.s32 $0x12000  }
0x22b: {  	[tilespmem:s29], [sflag:$0x3] =	stream.indirect_vreg.gather [hbm4b:s10+s3], $0x80, v2, vm0, $0xb8;
	[tilespmem:$0x19800] =	vst v63  }
0x22c: {  	v2 =	vld.msk [tilespmem:s25+$0x818], $0xff;
	_ =	sdelay $0x4  }
0x22d: {  	v3 =	vshll.u32 v2, $0x2  }
0x22e: {  	v2 =	vand.u32 $0x7, v2;
	v3 =	vand.u32 $0xFFFFFFE0, v3  }
0x22f: {  	v2 =	vor.u32 v2, v3  }
0x230: {  	v2 =	vperm.xlane v2, v0;
	_ =	sdelay $0x1  }
0x231: {  	v2 =	vadd.s32 v1, v2;
	_ =	sdelay $0x2  }
.Ltmp5:
0x232: {  	_ = 	snop;
	(pc) =	sbr.rel .LBB2_2-.Ltmp5, $4  }
0x233: {  	s29 =	simm.s32 $0x12800  }
0x234: {  	[tilespmem:s29], [sflag:$0x3] =	stream.indirect_vreg.gather [hbm4b:s1+s3], $0x80, v2, vm0, $0xb8;
	[tilespmem:$0x19800] =	vst v63  }
0x235: {  	s26 =	sadd.s32 $0x3800, s26;
	s25 =	sadd.s32 $0x20, s25  }
0x236: {  	[tilespmem:s30], [sflag:$0x3] =	stream.indirect_vreg.gather [hbm4b:s10+s3], $0x80, v2, vm0, $0xb8;
	[tilespmem:$0x19800] =	vst v63  }
.LBB2_9:
0x237: {  	_ =	sfence.sel $0x180000  }
0x238: {  	[bflag:$0x0] =	sbarrier.arrive $0xFFFF  }
0x239: {  	_ =	strace $0x90000047  }
0x23a: {  	s0 =	stileid.u32;
	[bflag:$0x2] =	sbarrier.arrive $0xFFFF  }
0x23b: {  	p0 =	sne.s32 s0, $0x0;
	s0 =	rddreg [dreg:$0x2]  }
0x23c: {  	s0 =	sadd.s32 @!p0 $0x100000, s0  }
0x23d: {  	[sflag:s0] =	ssyncadd.tile.s32 @!p0 $0x1;
	_ =	shalt  }
.Lfunc_end2:
_tile_overlayer_lowered:
.L_overlay_start_2:
0x23e: {  	(tag) =	ssettag $0x2  }
0x23f: {  	s0 =	rddreg [dreg:$0x0];
	s2 =	stileid.u32  }
0x240: {  	s1 =	rddreg [dreg:$0x1];
	p0 =	sne.s32 s2, $0x0  }
0x241: {  	s3 =	rddreg [dreg:$0x2];
	[bflag:$0x3] =	sbarrier.arrive $0xFFFF;
	s2 =	simm.s32 @!p0 $0x1C09  }
0x242: {  	[timem:s3], [sflag:s2] =	dma.local @!p0 [hbm:s0], s1  }
0x243: {  	s0 =	simm.s32 @!p0 $0x9  }
0x244: {  	_ =	swait.ge @!p0 [sflag:s0], s1  }
0x245: {  	s1 =	ssub.s32 @!p0 $0x0, s1;
	[sflag:s0] =	ssyncset.done @!p0 $0x0  }
0x246: {  	[sflag:s0] =	ssyncadd.s32 @!p0 s1  }
0x247: {  	[bflag:$0x3] =	sbarrier.arrive $0xFFFF  }
0x248: {  	_ =	shalt  }

</sc_bundles>
